<compile_context>
chip_gen: v7x
topology: tpu7x:2x2x1
jax: 0.10.2.dev20260603
libtpu: 0.0.44.dev20260713+nightly
codegen_flags: <defaults>
</compile_context>

<pallas_src>
import functools

import jax
import jax.numpy as jnp
from jax import lax
from jax.experimental import pallas as pl
from jax.experimental.pallas import tpu as pltpu
from jax.experimental.pallas import tpu_sc as plsc

VOCAB = 1000000
EMBED_DIM = 64
NUM_CLASS = 1000
BATCH = 4096
SEQ = 200

NUM_CORES = 2
NUM_SUBCORES = 16
NUM_WORKERS = NUM_CORES * NUM_SUBCORES
B_PER_W = BATCH // NUM_WORKERS
ROW = 128
S0 = 128
S1 = SEQ - S0

NBUF = 4
UNROLL = 8

TBLK = 4096
TGRID = 123
HPAD = TBLK * TGRID


def _transpose_tc_body(tl_ref, tr_ref, o_ref):
    eye = jnp.float32(
        jax.lax.broadcasted_iota(jnp.int32, (ROW, ROW), 0)
        == jax.lax.broadcasted_iota(jnp.int32, (ROW, ROW), 1))
    xcat = jnp.concatenate([tl_ref[...], tr_ref[...]], axis=0)
    o_ref[...] = lax.dot_general(
        xcat, eye, dimension_numbers=(((0,), (0,)), ((), ())),
        preferred_element_type=jnp.float32)


def _tc_transpose(tableT):
    return pl.pallas_call(
        _transpose_tc_body,
        grid=(TGRID,),
        in_specs=[
            pl.BlockSpec((EMBED_DIM, TBLK), lambda i: (0, i)),
            pl.BlockSpec(
                (EMBED_DIM, TBLK),
                lambda i: (0, jnp.minimum(i + TGRID, VOCAB // TBLK))),
        ],
        out_specs=pl.BlockSpec((TBLK, ROW), lambda i: (i, 0)),
        out_shape=jax.ShapeDtypeStruct((HPAD, ROW), jnp.float32),
    )(tableT, tableT)


def _pool_body(ids_hbm, table_hbm, out_hbm, idx_v, gbuf, pooled_v, sems):
    wid = lax.axis_index("c") * NUM_SUBCORES + lax.axis_index("s")
    base = wid * B_PER_W
    pltpu.sync_copy(ids_hbm.at[pl.ds(base, B_PER_W), :], idx_v)

    inv_seq = jnp.float32(1.0 / SEQ)

    def start_gather(r, b):
        pltpu.async_copy(
            table_hbm.at[idx_v.at[r, pl.ds(0, S0)]],
            gbuf.at[b, pl.ds(0, S0)], sems.at[b])
        pltpu.async_copy(
            table_hbm.at[idx_v.at[r, pl.ds(S0, S1)]],
            gbuf.at[b, pl.ds(S0, S1)], sems.at[b])

    def wait_gather(b):
        pltpu.make_async_copy(
            table_hbm.at[idx_v.at[0, pl.ds(0, S0)]],
            gbuf.at[b, pl.ds(0, S0)], sems.at[b]).wait()
        pltpu.make_async_copy(
            table_hbm.at[idx_v.at[0, pl.ds(S0, S1)]],
            gbuf.at[b, pl.ds(S0, S1)], sems.at[b]).wait()

    def reduce_slot(r, b):
        def red_body(j, accs):
            accs = list(accs)
            for u in range(UNROLL):
                row = j * UNROLL + u
                for k in range(4):
                    a = u % 2 + 2 * k
                    accs[a] = accs[a] + gbuf[b, row, pl.ds(16 * k, 16)]
            return tuple(accs)

        zero = jnp.zeros((16,), jnp.float32)
        accs = lax.fori_loop(0, SEQ // UNROLL, red_body, (zero,) * 8)
        for k in range(4):
            pooled_v[r, pl.ds(16 * k, 16)] = (
                (accs[2 * k] + accs[2 * k + 1]) * inv_seq)

    for b in range(NBUF):
        start_gather(b, b)

    def outer(g, carry):
        for b in range(NBUF):
            r = g * NBUF + b
            wait_gather(b)
            reduce_slot(r, b)

            @pl.when(r + NBUF < B_PER_W)
            def _():
                start_gather(r + NBUF, b)
        return carry

    lax.fori_loop(0, B_PER_W // NBUF, outer, 0)
    pltpu.sync_copy(pooled_v, out_hbm.at[pl.ds(base, B_PER_W), :])


def _sc_pool(input_ids, table128):
    mesh = plsc.VectorSubcoreMesh(core_axis_name="c", subcore_axis_name="s")
    f = pl.kernel(
        _pool_body,
        out_type=jax.ShapeDtypeStruct((BATCH, EMBED_DIM), jnp.float32),
        mesh=mesh,
        scratch_types=[
            pltpu.VMEM((B_PER_W, SEQ), jnp.int32),
            pltpu.VMEM((NBUF, SEQ, EMBED_DIM), jnp.float32),
            pltpu.VMEM((B_PER_W, EMBED_DIM), jnp.float32),
            pltpu.SemaphoreType.DMA((NBUF,)),
        ],
        compiler_params=pltpu.CompilerParams(use_tc_tiling_on_sc=False),
    )
    return f(input_ids, table128)


BM = 256


def _matmul_body(p_ref, w_ref, b_ref, o_ref):
    acc = lax.dot_general(
        p_ref[...], w_ref[...],
        dimension_numbers=(((1,), (1,)), ((), ())),
        preferred_element_type=jnp.float32)
    o_ref[...] = acc + b_ref[...]


def _tc_head(pooled, fc_w, fc_b):
    bias = fc_b.reshape(1, NUM_CLASS)
    return pl.pallas_call(
        _matmul_body,
        grid=(BATCH // BM,),
        in_specs=[
            pl.BlockSpec((BM, EMBED_DIM), lambda i: (i, 0)),
            pl.BlockSpec((NUM_CLASS, EMBED_DIM), lambda i: (0, 0)),
            pl.BlockSpec((1, NUM_CLASS), lambda i: (0, 0)),
        ],
        out_specs=pl.BlockSpec((BM, NUM_CLASS), lambda i: (i, 0)),
        out_shape=jax.ShapeDtypeStruct((BATCH, NUM_CLASS), jnp.float32),
    )(pooled, fc_w, bias)


def kernel(input_ids, emb_table, fc_w, fc_b):
    tableT = emb_table.T
    table_pairs = _tc_transpose(tableT)
    table_lin = table_pairs.reshape(2 * HPAD, EMBED_DIM)
    ids2 = jnp.where(input_ids < HPAD,
                     2 * input_ids, 2 * (input_ids - HPAD) + 1)
    pooled = _sc_pool(ids2, table_lin)
    return _tc_head(pooled, fc_w, fc_b)

# --- scband reference (transcript-rebuilt; emitter-appended) ---
"""Pipeline reference for scband-text-classification-model-55387898249677 (READ-ONLY COPY).

The authoritative reference and input builder live on the scoring server;
editing this copy changes nothing except your own understanding.
"""

import jax, jax.numpy as jnp
import numpy as np

VOCAB = 1000000
EMBED_DIM = 64
NUM_CLASS = 1000
BATCH = 4096
SEQ = 200

def setup_inputs(seed: int = 0) -> dict:
    key = jax.random.key(seed)
    k1, k2, k3 = jax.random.split(key, 3)
    input_ids = jax.random.randint(k1, (BATCH, SEQ), 0, VOCAB, dtype=jnp.int64 if jax.config.jax_enable_x64 else jnp.int32)
    emb_table = jax.random.uniform(k2, (VOCAB, EMBED_DIM), dtype=jnp.float32, minval=-0.5, maxval=0.5)
    fc_w = jax.random.uniform(k3, (NUM_CLASS, EMBED_DIM), dtype=jnp.float32, minval=-0.5, maxval=0.5)
    fc_b = jnp.zeros((NUM_CLASS,), dtype=jnp.float32)
    return {"input_ids": input_ids, "emb_table": emb_table, "fc_w": fc_w, "fc_b": fc_b}

def reference(input_ids, emb_table, fc_w, fc_b):
    # nn.Embedding lookup -> mean over sequence dim -> Linear
    embedded = jnp.take(emb_table, input_ids, axis=0)  # [B, L, D]
    pooled = embedded.mean(axis=1)                     # [B, D]
    logits = pooled @ fc_w.T + fc_b                    # [B, num_class]
    return logits

if __name__ == "__main__":
    import jax
    _d = setup_inputs()
    print(jax.jit(kernel)(*tuple(_d.values())))

</pallas_src>

<mosaic_0001>
#map = affine_map<(d0, d1) -> (0, 0)>
module attributes {stable_mosaic.version = 14 : i64} {
  func.func @_pool_body(%arg0: i32, %arg1: i32, %arg2: memref<4096x200xi32, #tpu.memory_space<hbm>>, %arg3: memref<1007616x64xf32, #tpu.memory_space<hbm>>, %arg4: memref<4096x64xf32, #tpu.memory_space<hbm>>, %arg5: memref<128x200xi32, #tpu.memory_space<vmem>>, %arg6: memref<4x200x64xf32, #tpu.memory_space<vmem>>, %arg7: memref<128x64xf32, #tpu.memory_space<vmem>>, %arg8: memref<4x!tpu.dma_semaphore, #tpu.memory_space<semaphore_mem>>) attributes {dimension_semantics = [#tpu.dimension_semantics<core_parallel>, #tpu.dimension_semantics<subcore_parallel>], iteration_bounds = array<i64: 2, 16>, scalar_prefetch = 0 : i64, scratch_operands = 4 : i64, tpu.core_type = #tpu.core_type<sc_vector_subcore>, window_params = [{transform_indices = #map}, {transform_indices = #map}, {transform_indices = #map}]} {
    %mul3A = arith.constant 16 : i32
    %mul3A_0 = arith.muli %arg0, %mul3A : i32
    %add3A = arith.addi %mul3A_0, %arg1 : i32
    %mul3A_1 = arith.constant 128 : i32
    %mul3A_2 = arith.muli %add3A, %mul3A_1 : i32
    "tpu.region"() ({
      %run_scoped3A = tpu.sem_alloc : memref<!tpu.dma_semaphore, #tpu.memory_space<semaphore_mem>>
      %dma_start3A_128 = arith.constant 0 : i32
      %dma_start3A_129 = tpu.memref_slice %arg2[%mul3A_2, %dma_start3A_128] : memref<4096x200xi32, #tpu.memory_space<hbm>> -> memref<128x200xi32, #tpu.memory_space<hbm>>
      %dma_start3A_130 = arith.constant 0 : i32
      %dma_start3A_131 = tpu.memref_slice %arg2[%mul3A_2, %dma_start3A_130] : memref<4096x200xi32, #tpu.memory_space<hbm>> -> memref<128x200xi32, #tpu.memory_space<hbm>>
      tpu.enqueue_dma source(%dma_start3A_131 : memref<128x200xi32, #tpu.memory_space<hbm>>) target(%arg5 : memref<128x200xi32, #tpu.memory_space<vmem>>) target_semaphore(%run_scoped3A : memref<!tpu.dma_semaphore, #tpu.memory_space<semaphore_mem>>)
      %dma_wait3A = arith.constant 0 : i32
      %dma_wait3A_132 = tpu.memref_slice %arg2[%mul3A_2, %dma_wait3A] : memref<4096x200xi32, #tpu.memory_space<hbm>> -> memref<128x200xi32, #tpu.memory_space<hbm>>
      %dma_wait3A_133 = arith.constant 0 : i32
      %dma_wait3A_134 = tpu.memref_slice %arg2[%mul3A_2, %dma_wait3A_133] : memref<4096x200xi32, #tpu.memory_space<hbm>> -> memref<128x200xi32, #tpu.memory_space<hbm>>
      tpu.wait_dma2 semaphore(%run_scoped3A : memref<!tpu.dma_semaphore, #tpu.memory_space<semaphore_mem>>) src(%dma_wait3A_134 : memref<128x200xi32, #tpu.memory_space<hbm>>) dst(%arg5 : memref<128x200xi32, #tpu.memory_space<vmem>>)
      tpu.yield
    }) : () -> ()
    %dma_start3A = arith.constant 0 : i32
    %dma_start3A_3 = arith.constant 0 : i32
    %dma_start3A_4 = arith.constant 0 : i32
    %dma_start3A_5 = arith.constant 0 : i32
    %dma_start3A_6 = arith.constant 0 : i32
    %dma_start3A_7 = tpu.memref_slice %arg6[%dma_start3A_3, %dma_start3A_5, %dma_start3A_6] : memref<4x200x64xf32, #tpu.memory_space<vmem>> -> memref<1x128x64xf32, #tpu.memory_space<vmem>>
    %dma_start3A_8 = tpu.memref_squeeze %dma_start3A_7 : memref<1x128x64xf32, #tpu.memory_space<vmem>> -> memref<128x64xf32, #tpu.memory_space<vmem>>
    %dma_start3A_9 = arith.constant 0 : i32
    %dma_start3A_10 = tpu.memref_slice %arg5[%dma_start3A, %dma_start3A_9] : memref<128x200xi32, #tpu.memory_space<vmem>> -> memref<1x128xi32, #tpu.memory_space<vmem>>
    %dma_start3A_11 = tpu.memref_squeeze %dma_start3A_10 : memref<1x128xi32, #tpu.memory_space<vmem>> -> memref<128xi32, #tpu.memory_space<vmem>>
    %dma_start3A_12 = arith.constant 0 : i32
    %dma_start3A_13 = arith.constant 0 : i32
    %dma_start3A_14 = tpu.memref_slice %arg3[%dma_start3A_12, %dma_start3A_13] : memref<1007616x64xf32, #tpu.memory_space<hbm>> -> memref<1007616x64xf32, #tpu.memory_space<hbm>>
    %dma_start3A_15 = tpu.memref_slice %arg8[%dma_start3A_4] : memref<4x!tpu.dma_semaphore, #tpu.memory_space<semaphore_mem>> -> memref<1x!tpu.dma_semaphore, #tpu.memory_space<semaphore_mem>>
    %dma_start3A_16 = tpu.memref_squeeze %dma_start3A_15 : memref<1x!tpu.dma_semaphore, #tpu.memory_space<semaphore_mem>> -> memref<!tpu.dma_semaphore, #tpu.memory_space<semaphore_mem>>
    tpu.enqueue_indirect_dma source(%dma_start3A_14 : memref<1007616x64xf32, #tpu.memory_space<hbm>>) target(%dma_start3A_8 : memref<128x64xf32, #tpu.memory_space<vmem>>) offsets(%dma_start3A_11 : memref<128xi32, #tpu.memory_space<vmem>>) semaphore(%dma_start3A_16 : memref<!tpu.dma_semaphore, #tpu.memory_space<semaphore_mem>>)
    %dma_start3A_17 = arith.constant 0 : i32
    %dma_start3A_18 = arith.constant 0 : i32
    %dma_start3A_19 = arith.constant 0 : i32
    %dma_start3A_20 = arith.constant 128 : i32
    %dma_start3A_21 = arith.constant 0 : i32
    %dma_start3A_22 = tpu.memref_slice %arg6[%dma_start3A_18, %dma_start3A_20, %dma_start3A_21] : memref<4x200x64xf32, #tpu.memory_space<vmem>> -> memref<1x72x64xf32, #tpu.memory_space<vmem>>
    %dma_start3A_23 = tpu.memref_squeeze %dma_start3A_22 : memref<1x72x64xf32, #tpu.memory_space<vmem>> -> memref<72x64xf32, #tpu.memory_space<vmem>>
    %dma_start3A_24 = arith.constant 128 : i32
    %dma_start3A_25 = tpu.memref_slice %arg5[%dma_start3A_17, %dma_start3A_24] : memref<128x200xi32, #tpu.memory_space<vmem>> -> memref<1x72xi32, #tpu.memory_space<vmem>>
    %dma_start3A_26 = tpu.memref_squeeze %dma_start3A_25 : memref<1x72xi32, #tpu.memory_space<vmem>> -> memref<72xi32, #tpu.memory_space<vmem>>
    %dma_start3A_27 = arith.constant 0 : i32
    %dma_start3A_28 = arith.constant 0 : i32
    %dma_start3A_29 = tpu.memref_slice %arg3[%dma_start3A_27, %dma_start3A_28] : memref<1007616x64xf32, #tpu.memory_space<hbm>> -> memref<1007616x64xf32, #tpu.memory_space<hbm>>
    %dma_start3A_30 = tpu.memref_slice %arg8[%dma_start3A_19] : memref<4x!tpu.dma_semaphore, #tpu.memory_space<semaphore_mem>> -> memref<1x!tpu.dma_semaphore, #tpu.memory_space<semaphore_mem>>
    %dma_start3A_31 = tpu.memref_squeeze %dma_start3A_30 : memref<1x!tpu.dma_semaphore, #tpu.memory_space<semaphore_mem>> -> memref<!tpu.dma_semaphore, #tpu.memory_space<semaphore_mem>>
    tpu.enqueue_indirect_dma source(%dma_start3A_29 : memref<1007616x64xf32, #tpu.memory_space<hbm>>) target(%dma_start3A_23 : memref<72x64xf32, #tpu.memory_space<vmem>>) offsets(%dma_start3A_26 : memref<72xi32, #tpu.memory_space<vmem>>) semaphore(%dma_start3A_31 : memref<!tpu.dma_semaphore, #tpu.memory_space<semaphore_mem>>)
    %dma_start3A_32 = arith.constant 1 : i32
    %dma_start3A_33 = arith.constant 1 : i32
    %dma_start3A_34 = arith.constant 1 : i32
    %dma_start3A_35 = arith.constant 0 : i32
    %dma_start3A_36 = arith.constant 0 : i32
    %dma_start3A_37 = tpu.memref_slice %arg6[%dma_start3A_33, %dma_start3A_35, %dma_start3A_36] : memref<4x200x64xf32, #tpu.memory_space<vmem>> -> memref<1x128x64xf32, #tpu.memory_space<vmem>>
    %dma_start3A_38 = tpu.memref_squeeze %dma_start3A_37 : memref<1x128x64xf32, #tpu.memory_space<vmem>> -> memref<128x64xf32, #tpu.memory_space<vmem>>
    %dma_start3A_39 = arith.constant 0 : i32
    %dma_start3A_40 = tpu.memref_slice %arg5[%dma_start3A_32, %dma_start3A_39] : memref<128x200xi32, #tpu.memory_space<vmem>> -> memref<1x128xi32, #tpu.memory_space<vmem>>
    %dma_start3A_41 = tpu.memref_squeeze %dma_start3A_40 : memref<1x128xi32, #tpu.memory_space<vmem>> -> memref<128xi32, #tpu.memory_space<vmem>>
    %dma_start3A_42 = arith.constant 0 : i32
    %dma_start3A_43 = arith.constant 0 : i32
    %dma_start3A_44 = tpu.memref_slice %arg3[%dma_start3A_42, %dma_start3A_43] : memref<1007616x64xf32, #tpu.memory_space<hbm>> -> memref<1007616x64xf32, #tpu.memory_space<hbm>>
    %dma_start3A_45 = tpu.memref_slice %arg8[%dma_start3A_34] : memref<4x!tpu.dma_semaphore, #tpu.memory_space<semaphore_mem>> -> memref<1x!tpu.dma_semaphore, #tpu.memory_space<semaphore_mem>>
    %dma_start3A_46 = tpu.memref_squeeze %dma_start3A_45 : memref<1x!tpu.dma_semaphore, #tpu.memory_space<semaphore_mem>> -> memref<!tpu.dma_semaphore, #tpu.memory_space<semaphore_mem>>
    tpu.enqueue_indirect_dma source(%dma_start3A_44 : memref<1007616x64xf32, #tpu.memory_space<hbm>>) target(%dma_start3A_38 : memref<128x64xf32, #tpu.memory_space<vmem>>) offsets(%dma_start3A_41 : memref<128xi32, #tpu.memory_space<vmem>>) semaphore(%dma_start3A_46 : memref<!tpu.dma_semaphore, #tpu.memory_space<semaphore_mem>>)
    %dma_start3A_47 = arith.constant 1 : i32
    %dma_start3A_48 = arith.constant 1 : i32
    %dma_start3A_49 = arith.constant 1 : i32
    %dma_start3A_50 = arith.constant 128 : i32
    %dma_start3A_51 = arith.constant 0 : i32
    %dma_start3A_52 = tpu.memref_slice %arg6[%dma_start3A_48, %dma_start3A_50, %dma_start3A_51] : memref<4x200x64xf32, #tpu.memory_space<vmem>> -> memref<1x72x64xf32, #tpu.memory_space<vmem>>
    %dma_start3A_53 = tpu.memref_squeeze %dma_start3A_52 : memref<1x72x64xf32, #tpu.memory_space<vmem>> -> memref<72x64xf32, #tpu.memory_space<vmem>>
    %dma_start3A_54 = arith.constant 128 : i32
    %dma_start3A_55 = tpu.memref_slice %arg5[%dma_start3A_47, %dma_start3A_54] : memref<128x200xi32, #tpu.memory_space<vmem>> -> memref<1x72xi32, #tpu.memory_space<vmem>>
    %dma_start3A_56 = tpu.memref_squeeze %dma_start3A_55 : memref<1x72xi32, #tpu.memory_space<vmem>> -> memref<72xi32, #tpu.memory_space<vmem>>
    %dma_start3A_57 = arith.constant 0 : i32
    %dma_start3A_58 = arith.constant 0 : i32
    %dma_start3A_59 = tpu.memref_slice %arg3[%dma_start3A_57, %dma_start3A_58] : memref<1007616x64xf32, #tpu.memory_space<hbm>> -> memref<1007616x64xf32, #tpu.memory_space<hbm>>
    %dma_start3A_60 = tpu.memref_slice %arg8[%dma_start3A_49] : memref<4x!tpu.dma_semaphore, #tpu.memory_space<semaphore_mem>> -> memref<1x!tpu.dma_semaphore, #tpu.memory_space<semaphore_mem>>
    %dma_start3A_61 = tpu.memref_squeeze %dma_start3A_60 : memref<1x!tpu.dma_semaphore, #tpu.memory_space<semaphore_mem>> -> memref<!tpu.dma_semaphore, #tpu.memory_space<semaphore_mem>>
    tpu.enqueue_indirect_dma source(%dma_start3A_59 : memref<1007616x64xf32, #tpu.memory_space<hbm>>) target(%dma_start3A_53 : memref<72x64xf32, #tpu.memory_space<vmem>>) offsets(%dma_start3A_56 : memref<72xi32, #tpu.memory_space<vmem>>) semaphore(%dma_start3A_61 : memref<!tpu.dma_semaphore, #tpu.memory_space<semaphore_mem>>)
    %dma_start3A_62 = arith.constant 2 : i32
    %dma_start3A_63 = arith.constant 2 : i32
    %dma_start3A_64 = arith.constant 2 : i32
    %dma_start3A_65 = arith.constant 0 : i32
    %dma_start3A_66 = arith.constant 0 : i32
    %dma_start3A_67 = tpu.memref_slice %arg6[%dma_start3A_63, %dma_start3A_65, %dma_start3A_66] : memref<4x200x64xf32, #tpu.memory_space<vmem>> -> memref<1x128x64xf32, #tpu.memory_space<vmem>>
    %dma_start3A_68 = tpu.memref_squeeze %dma_start3A_67 : memref<1x128x64xf32, #tpu.memory_space<vmem>> -> memref<128x64xf32, #tpu.memory_space<vmem>>
    %dma_start3A_69 = arith.constant 0 : i32
    %dma_start3A_70 = tpu.memref_slice %arg5[%dma_start3A_62, %dma_start3A_69] : memref<128x200xi32, #tpu.memory_space<vmem>> -> memref<1x128xi32, #tpu.memory_space<vmem>>
    %dma_start3A_71 = tpu.memref_squeeze %dma_start3A_70 : memref<1x128xi32, #tpu.memory_space<vmem>> -> memref<128xi32, #tpu.memory_space<vmem>>
    %dma_start3A_72 = arith.constant 0 : i32
    %dma_start3A_73 = arith.constant 0 : i32
    %dma_start3A_74 = tpu.memref_slice %arg3[%dma_start3A_72, %dma_start3A_73] : memref<1007616x64xf32, #tpu.memory_space<hbm>> -> memref<1007616x64xf32, #tpu.memory_space<hbm>>
    %dma_start3A_75 = tpu.memref_slice %arg8[%dma_start3A_64] : memref<4x!tpu.dma_semaphore, #tpu.memory_space<semaphore_mem>> -> memref<1x!tpu.dma_semaphore, #tpu.memory_space<semaphore_mem>>
    %dma_start3A_76 = tpu.memref_squeeze %dma_start3A_75 : memref<1x!tpu.dma_semaphore, #tpu.memory_space<semaphore_mem>> -> memref<!tpu.dma_semaphore, #tpu.memory_space<semaphore_mem>>
    tpu.enqueue_indirect_dma source(%dma_start3A_74 : memref<1007616x64xf32, #tpu.memory_space<hbm>>) target(%dma_start3A_68 : memref<128x64xf32, #tpu.memory_space<vmem>>) offsets(%dma_start3A_71 : memref<128xi32, #tpu.memory_space<vmem>>) semaphore(%dma_start3A_76 : memref<!tpu.dma_semaphore, #tpu.memory_space<semaphore_mem>>)
    %dma_start3A_77 = arith.constant 2 : i32
    %dma_start3A_78 = arith.constant 2 : i32
    %dma_start3A_79 = arith.constant 2 : i32
    %dma_start3A_80 = arith.constant 128 : i32
    %dma_start3A_81 = arith.constant 0 : i32
    %dma_start3A_82 = tpu.memref_slice %arg6[%dma_start3A_78, %dma_start3A_80, %dma_start3A_81] : memref<4x200x64xf32, #tpu.memory_space<vmem>> -> memref<1x72x64xf32, #tpu.memory_space<vmem>>
    %dma_start3A_83 = tpu.memref_squeeze %dma_start3A_82 : memref<1x72x64xf32, #tpu.memory_space<vmem>> -> memref<72x64xf32, #tpu.memory_space<vmem>>
    %dma_start3A_84 = arith.constant 128 : i32
    %dma_start3A_85 = tpu.memref_slice %arg5[%dma_start3A_77, %dma_start3A_84] : memref<128x200xi32, #tpu.memory_space<vmem>> -> memref<1x72xi32, #tpu.memory_space<vmem>>
    %dma_start3A_86 = tpu.memref_squeeze %dma_start3A_85 : memref<1x72xi32, #tpu.memory_space<vmem>> -> memref<72xi32, #tpu.memory_space<vmem>>
    %dma_start3A_87 = arith.constant 0 : i32
    %dma_start3A_88 = arith.constant 0 : i32
    %dma_start3A_89 = tpu.memref_slice %arg3[%dma_start3A_87, %dma_start3A_88] : memref<1007616x64xf32, #tpu.memory_space<hbm>> -> memref<1007616x64xf32, #tpu.memory_space<hbm>>
    %dma_start3A_90 = tpu.memref_slice %arg8[%dma_start3A_79] : memref<4x!tpu.dma_semaphore, #tpu.memory_space<semaphore_mem>> -> memref<1x!tpu.dma_semaphore, #tpu.memory_space<semaphore_mem>>
    %dma_start3A_91 = tpu.memref_squeeze %dma_start3A_90 : memref<1x!tpu.dma_semaphore, #tpu.memory_space<semaphore_mem>> -> memref<!tpu.dma_semaphore, #tpu.memory_space<semaphore_mem>>
    tpu.enqueue_indirect_dma source(%dma_start3A_89 : memref<1007616x64xf32, #tpu.memory_space<hbm>>) target(%dma_start3A_83 : memref<72x64xf32, #tpu.memory_space<vmem>>) offsets(%dma_start3A_86 : memref<72xi32, #tpu.memory_space<vmem>>) semaphore(%dma_start3A_91 : memref<!tpu.dma_semaphore, #tpu.memory_space<semaphore_mem>>)
    %dma_start3A_92 = arith.constant 3 : i32
    %dma_start3A_93 = arith.constant 3 : i32
    %dma_start3A_94 = arith.constant 3 : i32
    %dma_start3A_95 = arith.constant 0 : i32
    %dma_start3A_96 = arith.constant 0 : i32
    %dma_start3A_97 = tpu.memref_slice %arg6[%dma_start3A_93, %dma_start3A_95, %dma_start3A_96] : memref<4x200x64xf32, #tpu.memory_space<vmem>> -> memref<1x128x64xf32, #tpu.memory_space<vmem>>
    %dma_start3A_98 = tpu.memref_squeeze %dma_start3A_97 : memref<1x128x64xf32, #tpu.memory_space<vmem>> -> memref<128x64xf32, #tpu.memory_space<vmem>>
    %dma_start3A_99 = arith.constant 0 : i32
    %dma_start3A_100 = tpu.memref_slice %arg5[%dma_start3A_92, %dma_start3A_99] : memref<128x200xi32, #tpu.memory_space<vmem>> -> memref<1x128xi32, #tpu.memory_space<vmem>>
    %dma_start3A_101 = tpu.memref_squeeze %dma_start3A_100 : memref<1x128xi32, #tpu.memory_space<vmem>> -> memref<128xi32, #tpu.memory_space<vmem>>
    %dma_start3A_102 = arith.constant 0 : i32
    %dma_start3A_103 = arith.constant 0 : i32
    %dma_start3A_104 = tpu.memref_slice %arg3[%dma_start3A_102, %dma_start3A_103] : memref<1007616x64xf32, #tpu.memory_space<hbm>> -> memref<1007616x64xf32, #tpu.memory_space<hbm>>
    %dma_start3A_105 = tpu.memref_slice %arg8[%dma_start3A_94] : memref<4x!tpu.dma_semaphore, #tpu.memory_space<semaphore_mem>> -> memref<1x!tpu.dma_semaphore, #tpu.memory_space<semaphore_mem>>
    %dma_start3A_106 = tpu.memref_squeeze %dma_start3A_105 : memref<1x!tpu.dma_semaphore, #tpu.memory_space<semaphore_mem>> -> memref<!tpu.dma_semaphore, #tpu.memory_space<semaphore_mem>>
    tpu.enqueue_indirect_dma source(%dma_start3A_104 : memref<1007616x64xf32, #tpu.memory_space<hbm>>) target(%dma_start3A_98 : memref<128x64xf32, #tpu.memory_space<vmem>>) offsets(%dma_start3A_101 : memref<128xi32, #tpu.memory_space<vmem>>) semaphore(%dma_start3A_106 : memref<!tpu.dma_semaphore, #tpu.memory_space<semaphore_mem>>)
    %dma_start3A_107 = arith.constant 3 : i32
    %dma_start3A_108 = arith.constant 3 : i32
    %dma_start3A_109 = arith.constant 3 : i32
    %dma_start3A_110 = arith.constant 128 : i32
    %dma_start3A_111 = arith.constant 0 : i32
    %dma_start3A_112 = tpu.memref_slice %arg6[%dma_start3A_108, %dma_start3A_110, %dma_start3A_111] : memref<4x200x64xf32, #tpu.memory_space<vmem>> -> memref<1x72x64xf32, #tpu.memory_space<vmem>>
    %dma_start3A_113 = tpu.memref_squeeze %dma_start3A_112 : memref<1x72x64xf32, #tpu.memory_space<vmem>> -> memref<72x64xf32, #tpu.memory_space<vmem>>
    %dma_start3A_114 = arith.constant 128 : i32
    %dma_start3A_115 = tpu.memref_slice %arg5[%dma_start3A_107, %dma_start3A_114] : memref<128x200xi32, #tpu.memory_space<vmem>> -> memref<1x72xi32, #tpu.memory_space<vmem>>
    %dma_start3A_116 = tpu.memref_squeeze %dma_start3A_115 : memref<1x72xi32, #tpu.memory_space<vmem>> -> memref<72xi32, #tpu.memory_space<vmem>>
    %dma_start3A_117 = arith.constant 0 : i32
    %dma_start3A_118 = arith.constant 0 : i32
    %dma_start3A_119 = tpu.memref_slice %arg3[%dma_start3A_117, %dma_start3A_118] : memref<1007616x64xf32, #tpu.memory_space<hbm>> -> memref<1007616x64xf32, #tpu.memory_space<hbm>>
    %dma_start3A_120 = tpu.memref_slice %arg8[%dma_start3A_109] : memref<4x!tpu.dma_semaphore, #tpu.memory_space<semaphore_mem>> -> memref<1x!tpu.dma_semaphore, #tpu.memory_space<semaphore_mem>>
    %dma_start3A_121 = tpu.memref_squeeze %dma_start3A_120 : memref<1x!tpu.dma_semaphore, #tpu.memory_space<semaphore_mem>> -> memref<!tpu.dma_semaphore, #tpu.memory_space<semaphore_mem>>
    tpu.enqueue_indirect_dma source(%dma_start3A_119 : memref<1007616x64xf32, #tpu.memory_space<hbm>>) target(%dma_start3A_113 : memref<72x64xf32, #tpu.memory_space<vmem>>) offsets(%dma_start3A_116 : memref<72xi32, #tpu.memory_space<vmem>>) semaphore(%dma_start3A_121 : memref<!tpu.dma_semaphore, #tpu.memory_space<semaphore_mem>>)
    %scan3A = arith.constant 0 : i32
    %scan3A_122 = arith.constant 5.000000e-03 : f32
    %scan3A_123 = arith.constant 0 : i32
    %scan3A_124 = arith.constant 32 : i32
    %scan3A_125 = arith.addi %scan3A_123, %scan3A_124 : i32
    %scan3A_126 = arith.constant 1 : i32
    scf.for %scan3A_128 = %scan3A_123 to %scan3A_125 step %scan3A_126  : i32 {
      %mul3A_129 = arith.constant 4 : i32
      %mul3A_130 = arith.muli %scan3A_128, %mul3A_129 : i32
      %add3A_131 = arith.constant 0 : i32
      %add3A_132 = arith.addi %mul3A_130, %add3A_131 : i32
      %dma_wait3A = arith.constant 0 : i32
      %dma_wait3A_133 = arith.constant 0 : i32
      %dma_wait3A_134 = arith.constant 0 : i32
      %dma_wait3A_135 = arith.constant 0 : i32
      %dma_wait3A_136 = arith.constant 0 : i32
      %dma_wait3A_137 = tpu.memref_slice %arg6[%dma_wait3A_133, %dma_wait3A_135, %dma_wait3A_136] : memref<4x200x64xf32, #tpu.memory_space<vmem>> -> memref<1x128x64xf32, #tpu.memory_space<vmem>>
      %dma_wait3A_138 = tpu.memref_squeeze %dma_wait3A_137 : memref<1x128x64xf32, #tpu.memory_space<vmem>> -> memref<128x64xf32, #tpu.memory_space<vmem>>
      %dma_wait3A_139 = arith.constant 0 : i32
      %dma_wait3A_140 = tpu.memref_slice %arg5[%dma_wait3A, %dma_wait3A_139] : memref<128x200xi32, #tpu.memory_space<vmem>> -> memref<1x128xi32, #tpu.memory_space<vmem>>
      %dma_wait3A_141 = tpu.memref_squeeze %dma_wait3A_140 : memref<1x128xi32, #tpu.memory_space<vmem>> -> memref<128xi32, #tpu.memory_space<vmem>>
      %dma_wait3A_142 = arith.constant 0 : i32
      %dma_wait3A_143 = arith.constant 0 : i32
      %dma_wait3A_144 = tpu.memref_slice %arg3[%dma_wait3A_142, %dma_wait3A_143] : memref<1007616x64xf32, #tpu.memory_space<hbm>> -> memref<1007616x64xf32, #tpu.memory_space<hbm>>
      %dma_wait3A_145 = tpu.memref_slice %arg8[%dma_wait3A_134] : memref<4x!tpu.dma_semaphore, #tpu.memory_space<semaphore_mem>> -> memref<1x!tpu.dma_semaphore, #tpu.memory_space<semaphore_mem>>
      %dma_wait3A_146 = tpu.memref_squeeze %dma_wait3A_145 : memref<1x!tpu.dma_semaphore, #tpu.memory_space<semaphore_mem>> -> memref<!tpu.dma_semaphore, #tpu.memory_space<semaphore_mem>>
      tpu.wait_indirect_dma semaphore(%dma_wait3A_146 : memref<!tpu.dma_semaphore, #tpu.memory_space<semaphore_mem>>) src(%dma_wait3A_144 : memref<1007616x64xf32, #tpu.memory_space<hbm>>) dst(%dma_wait3A_138 : memref<128x64xf32, #tpu.memory_space<vmem>>)
      %dma_wait3A_147 = arith.constant 0 : i32
      %dma_wait3A_148 = arith.constant 0 : i32
      %dma_wait3A_149 = arith.constant 0 : i32
      %dma_wait3A_150 = arith.constant 128 : i32
      %dma_wait3A_151 = arith.constant 0 : i32
      %dma_wait3A_152 = tpu.memref_slice %arg6[%dma_wait3A_148, %dma_wait3A_150, %dma_wait3A_151] : memref<4x200x64xf32, #tpu.memory_space<vmem>> -> memref<1x72x64xf32, #tpu.memory_space<vmem>>
      %dma_wait3A_153 = tpu.memref_squeeze %dma_wait3A_152 : memref<1x72x64xf32, #tpu.memory_space<vmem>> -> memref<72x64xf32, #tpu.memory_space<vmem>>
      %dma_wait3A_154 = arith.constant 128 : i32
      %dma_wait3A_155 = tpu.memref_slice %arg5[%dma_wait3A_147, %dma_wait3A_154] : memref<128x200xi32, #tpu.memory_space<vmem>> -> memref<1x72xi32, #tpu.memory_space<vmem>>
      %dma_wait3A_156 = tpu.memref_squeeze %dma_wait3A_155 : memref<1x72xi32, #tpu.memory_space<vmem>> -> memref<72xi32, #tpu.memory_space<vmem>>
      %dma_wait3A_157 = arith.constant 0 : i32
      %dma_wait3A_158 = arith.constant 0 : i32
      %dma_wait3A_159 = tpu.memref_slice %arg3[%dma_wait3A_157, %dma_wait3A_158] : memref<1007616x64xf32, #tpu.memory_space<hbm>> -> memref<1007616x64xf32, #tpu.memory_space<hbm>>
      %dma_wait3A_160 = tpu.memref_slice %arg8[%dma_wait3A_149] : memref<4x!tpu.dma_semaphore, #tpu.memory_space<semaphore_mem>> -> memref<1x!tpu.dma_semaphore, #tpu.memory_space<semaphore_mem>>
      %dma_wait3A_161 = tpu.memref_squeeze %dma_wait3A_160 : memref<1x!tpu.dma_semaphore, #tpu.memory_space<semaphore_mem>> -> memref<!tpu.dma_semaphore, #tpu.memory_space<semaphore_mem>>
      tpu.wait_indirect_dma semaphore(%dma_wait3A_161 : memref<!tpu.dma_semaphore, #tpu.memory_space<semaphore_mem>>) src(%dma_wait3A_159 : memref<1007616x64xf32, #tpu.memory_space<hbm>>) dst(%dma_wait3A_153 : memref<72x64xf32, #tpu.memory_space<vmem>>)
      %broadcast_in_dim3A = arith.constant 0.000000e+00 : f32
      %broadcast_in_dim3A_162 = vector.broadcast %broadcast_in_dim3A : f32 to vector<16xf32>
      %scan3A_163 = arith.constant 0 : i32
      %scan3A_164 = arith.constant 25 : i32
      %scan3A_165 = arith.addi %scan3A_163, %scan3A_164 : i32
      %scan3A_166 = arith.constant 1 : i32
      %scan3A_167:8 = scf.for %scan3A_447 = %scan3A_163 to %scan3A_165 step %scan3A_166 iter_args(%scan3A_448 = %broadcast_in_dim3A_162, %scan3A_449 = %broadcast_in_dim3A_162, %scan3A_450 = %broadcast_in_dim3A_162, %scan3A_451 = %broadcast_in_dim3A_162, %scan3A_452 = %broadcast_in_dim3A_162, %scan3A_453 = %broadcast_in_dim3A_162, %scan3A_454 = %broadcast_in_dim3A_162, %scan3A_455 = %broadcast_in_dim3A_162) -> (vector<16xf32>, vector<16xf32>, vector<16xf32>, vector<16xf32>, vector<16xf32>, vector<16xf32>, vector<16xf32>, vector<16xf32>)  : i32 {
        %mul3A_456 = arith.constant 8 : i32
        %mul3A_457 = arith.muli %scan3A_447, %mul3A_456 : i32
        %add3A_458 = arith.constant 0 : i32
        %add3A_459 = arith.addi %mul3A_457, %add3A_458 : i32
        %get3A = arith.constant 0 : i32
        %get3A_460 = arith.index_cast %get3A : i32 to index
        %get3A_461 = arith.index_cast %add3A_459 : i32 to index
        %get3A_462 = arith.constant 0 : index
        %get3A_463 = tpu.vector_load %arg6[%get3A_460, %get3A_461, %get3A_462] {strides = array<i32>} : memref<4x200x64xf32, #tpu.memory_space<vmem>>, vector<1x1x16xf32>,
        %get3A_464 = vector.shape_cast %get3A_463 : vector<1x1x16xf32> to vector<16xf32>
        %add3A_465 = arith.addf %scan3A_448, %get3A_464 : vector<16xf32>
        %get3A_466 = arith.constant 0 : i32
        %get3A_467 = arith.index_cast %get3A_466 : i32 to index
        %get3A_468 = arith.index_cast %add3A_459 : i32 to index
        %get3A_469 = arith.constant 16 : index
        %get3A_470 = tpu.vector_load %arg6[%get3A_467, %get3A_468, %get3A_469] {strides = array<i32>} : memref<4x200x64xf32, #tpu.memory_space<vmem>>, vector<1x1x16xf32>,
        %get3A_471 = vector.shape_cast %get3A_470 : vector<1x1x16xf32> to vector<16xf32>
        %add3A_472 = arith.addf %scan3A_450, %get3A_471 : vector<16xf32>
        %get3A_473 = arith.constant 0 : i32
        %get3A_474 = arith.index_cast %get3A_473 : i32 to index
        %get3A_475 = arith.index_cast %add3A_459 : i32 to index
        %get3A_476 = arith.constant 32 : index
        %get3A_477 = tpu.vector_load %arg6[%get3A_474, %get3A_475, %get3A_476] {strides = array<i32>} : memref<4x200x64xf32, #tpu.memory_space<vmem>>, vector<1x1x16xf32>,
        %get3A_478 = vector.shape_cast %get3A_477 : vector<1x1x16xf32> to vector<16xf32>
        %add3A_479 = arith.addf %scan3A_452, %get3A_478 : vector<16xf32>
        %get3A_480 = arith.constant 0 : i32
        %get3A_481 = arith.index_cast %get3A_480 : i32 to index
        %get3A_482 = arith.index_cast %add3A_459 : i32 to index
        %get3A_483 = arith.constant 48 : index
        %get3A_484 = tpu.vector_load %arg6[%get3A_481, %get3A_482, %get3A_483] {strides = array<i32>} : memref<4x200x64xf32, #tpu.memory_space<vmem>>, vector<1x1x16xf32>,
        %get3A_485 = vector.shape_cast %get3A_484 : vector<1x1x16xf32> to vector<16xf32>
        %add3A_486 = arith.addf %scan3A_454, %get3A_485 : vector<16xf32>
        %mul3A_487 = arith.constant 8 : i32
        %mul3A_488 = arith.muli %scan3A_447, %mul3A_487 : i32
        %add3A_489 = arith.constant 1 : i32
        %add3A_490 = arith.addi %mul3A_488, %add3A_489 : i32
        %get3A_491 = arith.constant 0 : i32
        %get3A_492 = arith.index_cast %get3A_491 : i32 to index
        %get3A_493 = arith.index_cast %add3A_490 : i32 to index
        %get3A_494 = arith.constant 0 : index
        %get3A_495 = tpu.vector_load %arg6[%get3A_492, %get3A_493, %get3A_494] {strides = array<i32>} : memref<4x200x64xf32, #tpu.memory_space<vmem>>, vector<1x1x16xf32>,
        %get3A_496 = vector.shape_cast %get3A_495 : vector<1x1x16xf32> to vector<16xf32>
        %add3A_497 = arith.addf %scan3A_449, %get3A_496 : vector<16xf32>
        %get3A_498 = arith.constant 0 : i32
        %get3A_499 = arith.index_cast %get3A_498 : i32 to index
        %get3A_500 = arith.index_cast %add3A_490 : i32 to index
        %get3A_501 = arith.constant 16 : index
        %get3A_502 = tpu.vector_load %arg6[%get3A_499, %get3A_500, %get3A_501] {strides = array<i32>} : memref<4x200x64xf32, #tpu.memory_space<vmem>>, vector<1x1x16xf32>,
        %get3A_503 = vector.shape_cast %get3A_502 : vector<1x1x16xf32> to vector<16xf32>
        %add3A_504 = arith.addf %scan3A_451, %get3A_503 : vector<16xf32>
        %get3A_505 = arith.constant 0 : i32
        %get3A_506 = arith.index_cast %get3A_505 : i32 to index
        %get3A_507 = arith.index_cast %add3A_490 : i32 to index
        %get3A_508 = arith.constant 32 : index
        %get3A_509 = tpu.vector_load %arg6[%get3A_506, %get3A_507, %get3A_508] {strides = array<i32>} : memref<4x200x64xf32, #tpu.memory_space<vmem>>, vector<1x1x16xf32>,
        %get3A_510 = vector.shape_cast %get3A_509 : vector<1x1x16xf32> to vector<16xf32>
        %add3A_511 = arith.addf %scan3A_453, %get3A_510 : vector<16xf32>
        %get3A_512 = arith.constant 0 : i32
        %get3A_513 = arith.index_cast %get3A_512 : i32 to index
        %get3A_514 = arith.index_cast %add3A_490 : i32 to index
        %get3A_515 = arith.constant 48 : index
        %get3A_516 = tpu.vector_load %arg6[%get3A_513, %get3A_514, %get3A_515] {strides = array<i32>} : memref<4x200x64xf32, #tpu.memory_space<vmem>>, vector<1x1x16xf32>,
        %get3A_517 = vector.shape_cast %get3A_516 : vector<1x1x16xf32> to vector<16xf32>
        %add3A_518 = arith.addf %scan3A_455, %get3A_517 : vector<16xf32>
        %mul3A_519 = arith.constant 8 : i32
        %mul3A_520 = arith.muli %scan3A_447, %mul3A_519 : i32
        %add3A_521 = arith.constant 2 : i32
        %add3A_522 = arith.addi %mul3A_520, %add3A_521 : i32
        %get3A_523 = arith.constant 0 : i32
        %get3A_524 = arith.index_cast %get3A_523 : i32 to index
        %get3A_525 = arith.index_cast %add3A_522 : i32 to index
        %get3A_526 = arith.constant 0 : index
        %get3A_527 = tpu.vector_load %arg6[%get3A_524, %get3A_525, %get3A_526] {strides = array<i32>} : memref<4x200x64xf32, #tpu.memory_space<vmem>>, vector<1x1x16xf32>,
        %get3A_528 = vector.shape_cast %get3A_527 : vector<1x1x16xf32> to vector<16xf32>
        %add3A_529 = arith.addf %add3A_465, %get3A_528 : vector<16xf32>
        %get3A_530 = arith.constant 0 : i32
        %get3A_531 = arith.index_cast %get3A_530 : i32 to index
        %get3A_532 = arith.index_cast %add3A_522 : i32 to index
        %get3A_533 = arith.constant 16 : index
        %get3A_534 = tpu.vector_load %arg6[%get3A_531, %get3A_532, %get3A_533] {strides = array<i32>} : memref<4x200x64xf32, #tpu.memory_space<vmem>>, vector<1x1x16xf32>,
        %get3A_535 = vector.shape_cast %get3A_534 : vector<1x1x16xf32> to vector<16xf32>
        %add3A_536 = arith.addf %add3A_472, %get3A_535 : vector<16xf32>
        %get3A_537 = arith.constant 0 : i32
        %get3A_538 = arith.index_cast %get3A_537 : i32 to index
        %get3A_539 = arith.index_cast %add3A_522 : i32 to index
        %get3A_540 = arith.constant 32 : index
        %get3A_541 = tpu.vector_load %arg6[%get3A_538, %get3A_539, %get3A_540] {strides = array<i32>} : memref<4x200x64xf32, #tpu.memory_space<vmem>>, vector<1x1x16xf32>,
        %get3A_542 = vector.shape_cast %get3A_541 : vector<1x1x16xf32> to vector<16xf32>
        %add3A_543 = arith.addf %add3A_479, %get3A_542 : vector<16xf32>
        %get3A_544 = arith.constant 0 : i32
        %get3A_545 = arith.index_cast %get3A_544 : i32 to index
        %get3A_546 = arith.index_cast %add3A_522 : i32 to index
        %get3A_547 = arith.constant 48 : index
        %get3A_548 = tpu.vector_load %arg6[%get3A_545, %get3A_546, %get3A_547] {strides = array<i32>} : memref<4x200x64xf32, #tpu.memory_space<vmem>>, vector<1x1x16xf32>,
        %get3A_549 = vector.shape_cast %get3A_548 : vector<1x1x16xf32> to vector<16xf32>
        %add3A_550 = arith.addf %add3A_486, %get3A_549 : vector<16xf32>
        %mul3A_551 = arith.constant 8 : i32
        %mul3A_552 = arith.muli %scan3A_447, %mul3A_551 : i32
        %add3A_553 = arith.constant 3 : i32
        %add3A_554 = arith.addi %mul3A_552, %add3A_553 : i32
        %get3A_555 = arith.constant 0 : i32
        %get3A_556 = arith.index_cast %get3A_555 : i32 to index
        %get3A_557 = arith.index_cast %add3A_554 : i32 to index
        %get3A_558 = arith.constant 0 : index
        %get3A_559 = tpu.vector_load %arg6[%get3A_556, %get3A_557, %get3A_558] {strides = array<i32>} : memref<4x200x64xf32, #tpu.memory_space<vmem>>, vector<1x1x16xf32>,
        %get3A_560 = vector.shape_cast %get3A_559 : vector<1x1x16xf32> to vector<16xf32>
        %add3A_561 = arith.addf %add3A_497, %get3A_560 : vector<16xf32>
        %get3A_562 = arith.constant 0 : i32
        %get3A_563 = arith.index_cast %get3A_562 : i32 to index
        %get3A_564 = arith.index_cast %add3A_554 : i32 to index
        %get3A_565 = arith.constant 16 : index
        %get3A_566 = tpu.vector_load %arg6[%get3A_563, %get3A_564, %get3A_565] {strides = array<i32>} : memref<4x200x64xf32, #tpu.memory_space<vmem>>, vector<1x1x16xf32>,
        %get3A_567 = vector.shape_cast %get3A_566 : vector<1x1x16xf32> to vector<16xf32>
        %add3A_568 = arith.addf %add3A_504, %get3A_567 : vector<16xf32>
        %get3A_569 = arith.constant 0 : i32
        %get3A_570 = arith.index_cast %get3A_569 : i32 to index
        %get3A_571 = arith.index_cast %add3A_554 : i32 to index
        %get3A_572 = arith.constant 32 : index
        %get3A_573 = tpu.vector_load %arg6[%get3A_570, %get3A_571, %get3A_572] {strides = array<i32>} : memref<4x200x64xf32, #tpu.memory_space<vmem>>, vector<1x1x16xf32>,
        %get3A_574 = vector.shape_cast %get3A_573 : vector<1x1x16xf32> to vector<16xf32>
        %add3A_575 = arith.addf %add3A_511, %get3A_574 : vector<16xf32>
        %get3A_576 = arith.constant 0 : i32
        %get3A_577 = arith.index_cast %get3A_576 : i32 to index
        %get3A_578 = arith.index_cast %add3A_554 : i32 to index
        %get3A_579 = arith.constant 48 : index
        %get3A_580 = tpu.vector_load %arg6[%get3A_577, %get3A_578, %get3A_579] {strides = array<i32>} : memref<4x200x64xf32, #tpu.memory_space<vmem>>, vector<1x1x16xf32>,
        %get3A_581 = vector.shape_cast %get3A_580 : vector<1x1x16xf32> to vector<16xf32>
        %add3A_582 = arith.addf %add3A_518, %get3A_581 : vector<16xf32>
        %mul3A_583 = arith.constant 8 : i32
        %mul3A_584 = arith.muli %scan3A_447, %mul3A_583 : i32
        %add3A_585 = arith.constant 4 : i32
        %add3A_586 = arith.addi %mul3A_584, %add3A_585 : i32
        %get3A_587 = arith.constant 0 : i32
        %get3A_588 = arith.index_cast %get3A_587 : i32 to index
        %get3A_589 = arith.index_cast %add3A_586 : i32 to index
        %get3A_590 = arith.constant 0 : index
        %get3A_591 = tpu.vector_load %arg6[%get3A_588, %get3A_589, %get3A_590] {strides = array<i32>} : memref<4x200x64xf32, #tpu.memory_space<vmem>>, vector<1x1x16xf32>,
        %get3A_592 = vector.shape_cast %get3A_591 : vector<1x1x16xf32> to vector<16xf32>
        %add3A_593 = arith.addf %add3A_529, %get3A_592 : vector<16xf32>
        %get3A_594 = arith.constant 0 : i32
        %get3A_595 = arith.index_cast %get3A_594 : i32 to index
        %get3A_596 = arith.index_cast %add3A_586 : i32 to index
        %get3A_597 = arith.constant 16 : index
        %get3A_598 = tpu.vector_load %arg6[%get3A_595, %get3A_596, %get3A_597] {strides = array<i32>} : memref<4x200x64xf32, #tpu.memory_space<vmem>>, vector<1x1x16xf32>,
        %get3A_599 = vector.shape_cast %get3A_598 : vector<1x1x16xf32> to vector<16xf32>
        %add3A_600 = arith.addf %add3A_536, %get3A_599 : vector<16xf32>
        %get3A_601 = arith.constant 0 : i32
        %get3A_602 = arith.index_cast %get3A_601 : i32 to index
        %get3A_603 = arith.index_cast %add3A_586 : i32 to index
        %get3A_604 = arith.constant 32 : index
        %get3A_605 = tpu.vector_load %arg6[%get3A_602, %get3A_603, %get3A_604] {strides = array<i32>} : memref<4x200x64xf32, #tpu.memory_space<vmem>>, vector<1x1x16xf32>,
        %get3A_606 = vector.shape_cast %get3A_605 : vector<1x1x16xf32> to vector<16xf32>
        %add3A_607 = arith.addf %add3A_543, %get3A_606 : vector<16xf32>
        %get3A_608 = arith.constant 0 : i32
        %get3A_609 = arith.index_cast %get3A_608 : i32 to index
        %get3A_610 = arith.index_cast %add3A_586 : i32 to index
        %get3A_611 = arith.constant 48 : index
        %get3A_612 = tpu.vector_load %arg6[%get3A_609, %get3A_610, %get3A_611] {strides = array<i32>} : memref<4x200x64xf32, #tpu.memory_space<vmem>>, vector<1x1x16xf32>,
        %get3A_613 = vector.shape_cast %get3A_612 : vector<1x1x16xf32> to vector<16xf32>
        %add3A_614 = arith.addf %add3A_550, %get3A_613 : vector<16xf32>
        %mul3A_615 = arith.constant 8 : i32
        %mul3A_616 = arith.muli %scan3A_447, %mul3A_615 : i32
        %add3A_617 = arith.constant 5 : i32
        %add3A_618 = arith.addi %mul3A_616, %add3A_617 : i32
        %get3A_619 = arith.constant 0 : i32
        %get3A_620 = arith.index_cast %get3A_619 : i32 to index
        %get3A_621 = arith.index_cast %add3A_618 : i32 to index
        %get3A_622 = arith.constant 0 : index
        %get3A_623 = tpu.vector_load %arg6[%get3A_620, %get3A_621, %get3A_622] {strides = array<i32>} : memref<4x200x64xf32, #tpu.memory_space<vmem>>, vector<1x1x16xf32>,
        %get3A_624 = vector.shape_cast %get3A_623 : vector<1x1x16xf32> to vector<16xf32>
        %add3A_625 = arith.addf %add3A_561, %get3A_624 : vector<16xf32>
        %get3A_626 = arith.constant 0 : i32
        %get3A_627 = arith.index_cast %get3A_626 : i32 to index
        %get3A_628 = arith.index_cast %add3A_618 : i32 to index
        %get3A_629 = arith.constant 16 : index
        %get3A_630 = tpu.vector_load %arg6[%get3A_627, %get3A_628, %get3A_629] {strides = array<i32>} : memref<4x200x64xf32, #tpu.memory_space<vmem>>, vector<1x1x16xf32>,
        %get3A_631 = vector.shape_cast %get3A_630 : vector<1x1x16xf32> to vector<16xf32>
        %add3A_632 = arith.addf %add3A_568, %get3A_631 : vector<16xf32>
        %get3A_633 = arith.constant 0 : i32
        %get3A_634 = arith.index_cast %get3A_633 : i32 to index
        %get3A_635 = arith.index_cast %add3A_618 : i32 to index
        %get3A_636 = arith.constant 32 : index
        %get3A_637 = tpu.vector_load %arg6[%get3A_634, %get3A_635, %get3A_636] {strides = array<i32>} : memref<4x200x64xf32, #tpu.memory_space<vmem>>, vector<1x1x16xf32>,
        %get3A_638 = vector.shape_cast %get3A_637 : vector<1x1x16xf32> to vector<16xf32>
        %add3A_639 = arith.addf %add3A_575, %get3A_638 : vector<16xf32>
        %get3A_640 = arith.constant 0 : i32
        %get3A_641 = arith.index_cast %get3A_640 : i32 to index
        %get3A_642 = arith.index_cast %add3A_618 : i32 to index
        %get3A_643 = arith.constant 48 : index
        %get3A_644 = tpu.vector_load %arg6[%get3A_641, %get3A_642, %get3A_643] {strides = array<i32>} : memref<4x200x64xf32, #tpu.memory_space<vmem>>, vector<1x1x16xf32>,
        %get3A_645 = vector.shape_cast %get3A_644 : vector<1x1x16xf32> to vector<16xf32>
        %add3A_646 = arith.addf %add3A_582, %get3A_645 : vector<16xf32>
        %mul3A_647 = arith.constant 8 : i32
        %mul3A_648 = arith.muli %scan3A_447, %mul3A_647 : i32
        %add3A_649 = arith.constant 6 : i32
        %add3A_650 = arith.addi %mul3A_648, %add3A_649 : i32
        %get3A_651 = arith.constant 0 : i32
        %get3A_652 = arith.index_cast %get3A_651 : i32 to index
        %get3A_653 = arith.index_cast %add3A_650 : i32 to index
        %get3A_654 = arith.constant 0 : index
        %get3A_655 = tpu.vector_load %arg6[%get3A_652, %get3A_653, %get3A_654] {strides = array<i32>} : memref<4x200x64xf32, #tpu.memory_space<vmem>>, vector<1x1x16xf32>,
        %get3A_656 = vector.shape_cast %get3A_655 : vector<1x1x16xf32> to vector<16xf32>
        %add3A_657 = arith.addf %add3A_593, %get3A_656 : vector<16xf32>
        %get3A_658 = arith.constant 0 : i32
        %get3A_659 = arith.index_cast %get3A_658 : i32 to index
        %get3A_660 = arith.index_cast %add3A_650 : i32 to index
        %get3A_661 = arith.constant 16 : index
        %get3A_662 = tpu.vector_load %arg6[%get3A_659, %get3A_660, %get3A_661] {strides = array<i32>} : memref<4x200x64xf32, #tpu.memory_space<vmem>>, vector<1x1x16xf32>,
        %get3A_663 = vector.shape_cast %get3A_662 : vector<1x1x16xf32> to vector<16xf32>
        %add3A_664 = arith.addf %add3A_600, %get3A_663 : vector<16xf32>
        %get3A_665 = arith.constant 0 : i32
        %get3A_666 = arith.index_cast %get3A_665 : i32 to index
        %get3A_667 = arith.index_cast %add3A_650 : i32 to index
        %get3A_668 = arith.constant 32 : index
        %get3A_669 = tpu.vector_load %arg6[%get3A_666, %get3A_667, %get3A_668] {strides = array<i32>} : memref<4x200x64xf32, #tpu.memory_space<vmem>>, vector<1x1x16xf32>,
        %get3A_670 = vector.shape_cast %get3A_669 : vector<1x1x16xf32> to vector<16xf32>
        %add3A_671 = arith.addf %add3A_607, %get3A_670 : vector<16xf32>
        %get3A_672 = arith.constant 0 : i32
        %get3A_673 = arith.index_cast %get3A_672 : i32 to index
        %get3A_674 = arith.index_cast %add3A_650 : i32 to index
        %get3A_675 = arith.constant 48 : index
        %get3A_676 = tpu.vector_load %arg6[%get3A_673, %get3A_674, %get3A_675] {strides = array<i32>} : memref<4x200x64xf32, #tpu.memory_space<vmem>>, vector<1x1x16xf32>,
        %get3A_677 = vector.shape_cast %get3A_676 : vector<1x1x16xf32> to vector<16xf32>
        %add3A_678 = arith.addf %add3A_614, %get3A_677 : vector<16xf32>
        %mul3A_679 = arith.constant 8 : i32
        %mul3A_680 = arith.muli %scan3A_447, %mul3A_679 : i32
        %add3A_681 = arith.constant 7 : i32
        %add3A_682 = arith.addi %mul3A_680, %add3A_681 : i32
        %get3A_683 = arith.constant 0 : i32
        %get3A_684 = arith.index_cast %get3A_683 : i32 to index
        %get3A_685 = arith.index_cast %add3A_682 : i32 to index
        %get3A_686 = arith.constant 0 : index
        %get3A_687 = tpu.vector_load %arg6[%get3A_684, %get3A_685, %get3A_686] {strides = array<i32>} : memref<4x200x64xf32, #tpu.memory_space<vmem>>, vector<1x1x16xf32>,
        %get3A_688 = vector.shape_cast %get3A_687 : vector<1x1x16xf32> to vector<16xf32>
        %add3A_689 = arith.addf %add3A_625, %get3A_688 : vector<16xf32>
        %get3A_690 = arith.constant 0 : i32
        %get3A_691 = arith.index_cast %get3A_690 : i32 to index
        %get3A_692 = arith.index_cast %add3A_682 : i32 to index
        %get3A_693 = arith.constant 16 : index
        %get3A_694 = tpu.vector_load %arg6[%get3A_691, %get3A_692, %get3A_693] {strides = array<i32>} : memref<4x200x64xf32, #tpu.memory_space<vmem>>, vector<1x1x16xf32>,
        %get3A_695 = vector.shape_cast %get3A_694 : vector<1x1x16xf32> to vector<16xf32>
        %add3A_696 = arith.addf %add3A_632, %get3A_695 : vector<16xf32>
        %get3A_697 = arith.constant 0 : i32
        %get3A_698 = arith.index_cast %get3A_697 : i32 to index
        %get3A_699 = arith.index_cast %add3A_682 : i32 to index
        %get3A_700 = arith.constant 32 : index
        %get3A_701 = tpu.vector_load %arg6[%get3A_698, %get3A_699, %get3A_700] {strides = array<i32>} : memref<4x200x64xf32, #tpu.memory_space<vmem>>, vector<1x1x16xf32>,
        %get3A_702 = vector.shape_cast %get3A_701 : vector<1x1x16xf32> to vector<16xf32>
        %add3A_703 = arith.addf %add3A_639, %get3A_702 : vector<16xf32>
        %get3A_704 = arith.constant 0 : i32
        %get3A_705 = arith.index_cast %get3A_704 : i32 to index
        %get3A_706 = arith.index_cast %add3A_682 : i32 to index
        %get3A_707 = arith.constant 48 : index
        %get3A_708 = tpu.vector_load %arg6[%get3A_705, %get3A_706, %get3A_707] {strides = array<i32>} : memref<4x200x64xf32, #tpu.memory_space<vmem>>, vector<1x1x16xf32>,
        %get3A_709 = vector.shape_cast %get3A_708 : vector<1x1x16xf32> to vector<16xf32>
        %add3A_710 = arith.addf %add3A_646, %get3A_709 : vector<16xf32>
        scf.yield %add3A_657, %add3A_689, %add3A_664, %add3A_696, %add3A_671, %add3A_703, %add3A_678, %add3A_710 : vector<16xf32>, vector<16xf32>, vector<16xf32>, vector<16xf32>, vector<16xf32>, vector<16xf32>, vector<16xf32>, vector<16xf32>
      }
      %scan3A_168 = arith.constant 25 : i32
      %add3A_169 = arith.addf %scan3A_167#0, %scan3A_167#1 : vector<16xf32>
      %mul3A_170 = vector.broadcast %scan3A_122 : f32 to vector<16xf32>
      %mul3A_171 = arith.mulf %add3A_169, %mul3A_170 : vector<16xf32>
      %swap3A = arith.index_cast %add3A_132 : i32 to index
      %swap3A_172 = arith.constant 0 : index
      %swap3A_173 = tpu.vector_load %arg7[%swap3A, %swap3A_172] {strides = array<i32>} : memref<128x64xf32, #tpu.memory_space<vmem>>, vector<1x16xf32>,
      %swap3A_174 = vector.shape_cast %swap3A_173 : vector<1x16xf32> to vector<16xf32>
      %swap3A_175 = vector.shape_cast %mul3A_171 : vector<16xf32> to vector<1x16xf32>
      tpu.vector_store %arg7[%swap3A, %swap3A_172], %swap3A_175 {strides = array<i32>} : memref<128x64xf32, #tpu.memory_space<vmem>>, vector<1x16xf32>,
      %add3A_176 = arith.addf %scan3A_167#2, %scan3A_167#3 : vector<16xf32>
      %mul3A_177 = vector.broadcast %scan3A_122 : f32 to vector<16xf32>
      %mul3A_178 = arith.mulf %add3A_176, %mul3A_177 : vector<16xf32>
      %swap3A_179 = arith.index_cast %add3A_132 : i32 to index
      %swap3A_180 = arith.constant 16 : index
      %swap3A_181 = tpu.vector_load %arg7[%swap3A_179, %swap3A_180] {strides = array<i32>} : memref<128x64xf32, #tpu.memory_space<vmem>>, vector<1x16xf32>,
      %swap3A_182 = vector.shape_cast %swap3A_181 : vector<1x16xf32> to vector<16xf32>
      %swap3A_183 = vector.shape_cast %mul3A_178 : vector<16xf32> to vector<1x16xf32>
      tpu.vector_store %arg7[%swap3A_179, %swap3A_180], %swap3A_183 {strides = array<i32>} : memref<128x64xf32, #tpu.memory_space<vmem>>, vector<1x16xf32>,
      %add3A_184 = arith.addf %scan3A_167#4, %scan3A_167#5 : vector<16xf32>
      %mul3A_185 = vector.broadcast %scan3A_122 : f32 to vector<16xf32>
      %mul3A_186 = arith.mulf %add3A_184, %mul3A_185 : vector<16xf32>
      %swap3A_187 = arith.index_cast %add3A_132 : i32 to index
      %swap3A_188 = arith.constant 32 : index
      %swap3A_189 = tpu.vector_load %arg7[%swap3A_187, %swap3A_188] {strides = array<i32>} : memref<128x64xf32, #tpu.memory_space<vmem>>, vector<1x16xf32>,
      %swap3A_190 = vector.shape_cast %swap3A_189 : vector<1x16xf32> to vector<16xf32>
      %swap3A_191 = vector.shape_cast %mul3A_186 : vector<16xf32> to vector<1x16xf32>
      tpu.vector_store %arg7[%swap3A_187, %swap3A_188], %swap3A_191 {strides = array<i32>} : memref<128x64xf32, #tpu.memory_space<vmem>>, vector<1x16xf32>,
      %add3A_192 = arith.addf %scan3A_167#6, %scan3A_167#7 : vector<16xf32>
      %mul3A_193 = vector.broadcast %scan3A_122 : f32 to vector<16xf32>
      %mul3A_194 = arith.mulf %add3A_192, %mul3A_193 : vector<16xf32>
      %swap3A_195 = arith.index_cast %add3A_132 : i32 to index
      %swap3A_196 = arith.constant 48 : index
      %swap3A_197 = tpu.vector_load %arg7[%swap3A_195, %swap3A_196] {strides = array<i32>} : memref<128x64xf32, #tpu.memory_space<vmem>>, vector<1x16xf32>,
      %swap3A_198 = vector.shape_cast %swap3A_197 : vector<1x16xf32> to vector<16xf32>
      %swap3A_199 = vector.shape_cast %mul3A_194 : vector<16xf32> to vector<1x16xf32>
      tpu.vector_store %arg7[%swap3A_195, %swap3A_196], %swap3A_199 {strides = array<i32>} : memref<128x64xf32, #tpu.memory_space<vmem>>, vector<1x16xf32>,
      %add3A_200 = arith.constant 4 : i32
      %add3A_201 = arith.addi %add3A_132, %add3A_200 : i32
      %lt3A = arith.constant 128 : i32
      %lt3A_202 = arith.cmpi slt, %add3A_201, %lt3A : i32
      %convert_element_type3A = arith.extui %lt3A_202 : i1 to i32
      %cond3A = arith.constant 0 : i32
      %cond3A_203 = arith.cmpi ne, %convert_element_type3A, %cond3A : i32
      scf.if %cond3A_203 {
        %add3A_447 = arith.constant 4 : i32
        %add3A_448 = arith.addi %add3A_132, %add3A_447 : i32
        %dma_start3A_449 = arith.constant 0 : i32
        %dma_start3A_450 = arith.constant 0 : i32
        %dma_start3A_451 = arith.constant 0 : i32
        %dma_start3A_452 = arith.constant 0 : i32
        %dma_start3A_453 = tpu.memref_slice %arg6[%dma_start3A_449, %dma_start3A_451, %dma_start3A_452] : memref<4x200x64xf32, #tpu.memory_space<vmem>> -> memref<1x128x64xf32, #tpu.memory_space<vmem>>
        %dma_start3A_454 = tpu.memref_squeeze %dma_start3A_453 : memref<1x128x64xf32, #tpu.memory_space<vmem>> -> memref<128x64xf32, #tpu.memory_space<vmem>>
        %dma_start3A_455 = arith.constant 0 : i32
        %dma_start3A_456 = tpu.memref_slice %arg5[%add3A_448, %dma_start3A_455] : memref<128x200xi32, #tpu.memory_space<vmem>> -> memref<1x128xi32, #tpu.memory_space<vmem>>
        %dma_start3A_457 = tpu.memref_squeeze %dma_start3A_456 : memref<1x128xi32, #tpu.memory_space<vmem>> -> memref<128xi32, #tpu.memory_space<vmem>>
        %dma_start3A_458 = arith.constant 0 : i32
        %dma_start3A_459 = arith.constant 0 : i32
        %dma_start3A_460 = tpu.memref_slice %arg3[%dma_start3A_458, %dma_start3A_459] : memref<1007616x64xf32, #tpu.memory_space<hbm>> -> memref<1007616x64xf32, #tpu.memory_space<hbm>>
        %dma_start3A_461 = tpu.memref_slice %arg8[%dma_start3A_450] : memref<4x!tpu.dma_semaphore, #tpu.memory_space<semaphore_mem>> -> memref<1x!tpu.dma_semaphore, #tpu.memory_space<semaphore_mem>>
        %dma_start3A_462 = tpu.memref_squeeze %dma_start3A_461 : memref<1x!tpu.dma_semaphore, #tpu.memory_space<semaphore_mem>> -> memref<!tpu.dma_semaphore, #tpu.memory_space<semaphore_mem>>
        tpu.enqueue_indirect_dma source(%dma_start3A_460 : memref<1007616x64xf32, #tpu.memory_space<hbm>>) target(%dma_start3A_454 : memref<128x64xf32, #tpu.memory_space<vmem>>) offsets(%dma_start3A_457 : memref<128xi32, #tpu.memory_space<vmem>>) semaphore(%dma_start3A_462 : memref<!tpu.dma_semaphore, #tpu.memory_space<semaphore_mem>>)
        %dma_start3A_463 = arith.constant 0 : i32
        %dma_start3A_464 = arith.constant 0 : i32
        %dma_start3A_465 = arith.constant 128 : i32
        %dma_start3A_466 = arith.constant 0 : i32
        %dma_start3A_467 = tpu.memref_slice %arg6[%dma_start3A_463, %dma_start3A_465, %dma_start3A_466] : memref<4x200x64xf32, #tpu.memory_space<vmem>> -> memref<1x72x64xf32, #tpu.memory_space<vmem>>
        %dma_start3A_468 = tpu.memref_squeeze %dma_start3A_467 : memref<1x72x64xf32, #tpu.memory_space<vmem>> -> memref<72x64xf32, #tpu.memory_space<vmem>>
        %dma_start3A_469 = arith.constant 128 : i32
        %dma_start3A_470 = tpu.memref_slice %arg5[%add3A_448, %dma_start3A_469] : memref<128x200xi32, #tpu.memory_space<vmem>> -> memref<1x72xi32, #tpu.memory_space<vmem>>
        %dma_start3A_471 = tpu.memref_squeeze %dma_start3A_470 : memref<1x72xi32, #tpu.memory_space<vmem>> -> memref<72xi32, #tpu.memory_space<vmem>>
        %dma_start3A_472 = arith.constant 0 : i32
        %dma_start3A_473 = arith.constant 0 : i32
        %dma_start3A_474 = tpu.memref_slice %arg3[%dma_start3A_472, %dma_start3A_473] : memref<1007616x64xf32, #tpu.memory_space<hbm>> -> memref<1007616x64xf32, #tpu.memory_space<hbm>>
        %dma_start3A_475 = tpu.memref_slice %arg8[%dma_start3A_464] : memref<4x!tpu.dma_semaphore, #tpu.memory_space<semaphore_mem>> -> memref<1x!tpu.dma_semaphore, #tpu.memory_space<semaphore_mem>>
        %dma_start3A_476 = tpu.memref_squeeze %dma_start3A_475 : memref<1x!tpu.dma_semaphore, #tpu.memory_space<semaphore_mem>> -> memref<!tpu.dma_semaphore, #tpu.memory_space<semaphore_mem>>
        tpu.enqueue_indirect_dma source(%dma_start3A_474 : memref<1007616x64xf32, #tpu.memory_space<hbm>>) target(%dma_start3A_468 : memref<72x64xf32, #tpu.memory_space<vmem>>) offsets(%dma_start3A_471 : memref<72xi32, #tpu.memory_space<vmem>>) semaphore(%dma_start3A_476 : memref<!tpu.dma_semaphore, #tpu.memory_space<semaphore_mem>>)
      } else {
      }
      %mul3A_204 = arith.constant 4 : i32
      %mul3A_205 = arith.muli %scan3A_128, %mul3A_204 : i32
      %add3A_206 = arith.constant 1 : i32
      %add3A_207 = arith.addi %mul3A_205, %add3A_206 : i32
      %dma_wait3A_208 = arith.constant 0 : i32
      %dma_wait3A_209 = arith.constant 1 : i32
      %dma_wait3A_210 = arith.constant 1 : i32
      %dma_wait3A_211 = arith.constant 0 : i32
      %dma_wait3A_212 = arith.constant 0 : i32
      %dma_wait3A_213 = tpu.memref_slice %arg6[%dma_wait3A_209, %dma_wait3A_211, %dma_wait3A_212] : memref<4x200x64xf32, #tpu.memory_space<vmem>> -> memref<1x128x64xf32, #tpu.memory_space<vmem>>
      %dma_wait3A_214 = tpu.memref_squeeze %dma_wait3A_213 : memref<1x128x64xf32, #tpu.memory_space<vmem>> -> memref<128x64xf32, #tpu.memory_space<vmem>>
      %dma_wait3A_215 = arith.constant 0 : i32
      %dma_wait3A_216 = tpu.memref_slice %arg5[%dma_wait3A_208, %dma_wait3A_215] : memref<128x200xi32, #tpu.memory_space<vmem>> -> memref<1x128xi32, #tpu.memory_space<vmem>>
      %dma_wait3A_217 = tpu.memref_squeeze %dma_wait3A_216 : memref<1x128xi32, #tpu.memory_space<vmem>> -> memref<128xi32, #tpu.memory_space<vmem>>
      %dma_wait3A_218 = arith.constant 0 : i32
      %dma_wait3A_219 = arith.constant 0 : i32
      %dma_wait3A_220 = tpu.memref_slice %arg3[%dma_wait3A_218, %dma_wait3A_219] : memref<1007616x64xf32, #tpu.memory_space<hbm>> -> memref<1007616x64xf32, #tpu.memory_space<hbm>>
      %dma_wait3A_221 = tpu.memref_slice %arg8[%dma_wait3A_210] : memref<4x!tpu.dma_semaphore, #tpu.memory_space<semaphore_mem>> -> memref<1x!tpu.dma_semaphore, #tpu.memory_space<semaphore_mem>>
      %dma_wait3A_222 = tpu.memref_squeeze %dma_wait3A_221 : memref<1x!tpu.dma_semaphore, #tpu.memory_space<semaphore_mem>> -> memref<!tpu.dma_semaphore, #tpu.memory_space<semaphore_mem>>
      tpu.wait_indirect_dma semaphore(%dma_wait3A_222 : memref<!tpu.dma_semaphore, #tpu.memory_space<semaphore_mem>>) src(%dma_wait3A_220 : memref<1007616x64xf32, #tpu.memory_space<hbm>>) dst(%dma_wait3A_214 : memref<128x64xf32, #tpu.memory_space<vmem>>)
      %dma_wait3A_223 = arith.constant 0 : i32
      %dma_wait3A_224 = arith.constant 1 : i32
      %dma_wait3A_225 = arith.constant 1 : i32
      %dma_wait3A_226 = arith.constant 128 : i32
      %dma_wait3A_227 = arith.constant 0 : i32
      %dma_wait3A_228 = tpu.memref_slice %arg6[%dma_wait3A_224, %dma_wait3A_226, %dma_wait3A_227] : memref<4x200x64xf32, #tpu.memory_space<vmem>> -> memref<1x72x64xf32, #tpu.memory_space<vmem>>
      %dma_wait3A_229 = tpu.memref_squeeze %dma_wait3A_228 : memref<1x72x64xf32, #tpu.memory_space<vmem>> -> memref<72x64xf32, #tpu.memory_space<vmem>>
      %dma_wait3A_230 = arith.constant 128 : i32
      %dma_wait3A_231 = tpu.memref_slice %arg5[%dma_wait3A_223, %dma_wait3A_230] : memref<128x200xi32, #tpu.memory_space<vmem>> -> memref<1x72xi32, #tpu.memory_space<vmem>>
      %dma_wait3A_232 = tpu.memref_squeeze %dma_wait3A_231 : memref<1x72xi32, #tpu.memory_space<vmem>> -> memref<72xi32, #tpu.memory_space<vmem>>
      %dma_wait3A_233 = arith.constant 0 : i32
      %dma_wait3A_234 = arith.constant 0 : i32
      %dma_wait3A_235 = tpu.memref_slice %arg3[%dma_wait3A_233, %dma_wait3A_234] : memref<1007616x64xf32, #tpu.memory_space<hbm>> -> memref<1007616x64xf32, #tpu.memory_space<hbm>>
      %dma_wait3A_236 = tpu.memref_slice %arg8[%dma_wait3A_225] : memref<4x!tpu.dma_semaphore, #tpu.memory_space<semaphore_mem>> -> memref<1x!tpu.dma_semaphore, #tpu.memory_space<semaphore_mem>>
      %dma_wait3A_237 = tpu.memref_squeeze %dma_wait3A_236 : memref<1x!tpu.dma_semaphore, #tpu.memory_space<semaphore_mem>> -> memref<!tpu.dma_semaphore, #tpu.memory_space<semaphore_mem>>
      tpu.wait_indirect_dma semaphore(%dma_wait3A_237 : memref<!tpu.dma_semaphore, #tpu.memory_space<semaphore_mem>>) src(%dma_wait3A_235 : memref<1007616x64xf32, #tpu.memory_space<hbm>>) dst(%dma_wait3A_229 : memref<72x64xf32, #tpu.memory_space<vmem>>)
      %broadcast_in_dim3A_238 = arith.constant 0.000000e+00 : f32
      %broadcast_in_dim3A_239 = vector.broadcast %broadcast_in_dim3A_238 : f32 to vector<16xf32>
      %scan3A_240 = arith.constant 0 : i32
      %scan3A_241 = arith.constant 25 : i32
      %scan3A_242 = arith.addi %scan3A_240, %scan3A_241 : i32
      %scan3A_243 = arith.constant 1 : i32
      %scan3A_244:8 = scf.for %scan3A_447 = %scan3A_240 to %scan3A_242 step %scan3A_243 iter_args(%scan3A_448 = %broadcast_in_dim3A_239, %scan3A_449 = %broadcast_in_dim3A_239, %scan3A_450 = %broadcast_in_dim3A_239, %scan3A_451 = %broadcast_in_dim3A_239, %scan3A_452 = %broadcast_in_dim3A_239, %scan3A_453 = %broadcast_in_dim3A_239, %scan3A_454 = %broadcast_in_dim3A_239, %scan3A_455 = %broadcast_in_dim3A_239) -> (vector<16xf32>, vector<16xf32>, vector<16xf32>, vector<16xf32>, vector<16xf32>, vector<16xf32>, vector<16xf32>, vector<16xf32>)  : i32 {
        %mul3A_456 = arith.constant 8 : i32
        %mul3A_457 = arith.muli %scan3A_447, %mul3A_456 : i32
        %add3A_458 = arith.constant 0 : i32
        %add3A_459 = arith.addi %mul3A_457, %add3A_458 : i32
        %get3A = arith.constant 1 : i32
        %get3A_460 = arith.index_cast %get3A : i32 to index
        %get3A_461 = arith.index_cast %add3A_459 : i32 to index
        %get3A_462 = arith.constant 0 : index
        %get3A_463 = tpu.vector_load %arg6[%get3A_460, %get3A_461, %get3A_462] {strides = array<i32>} : memref<4x200x64xf32, #tpu.memory_space<vmem>>, vector<1x1x16xf32>,
        %get3A_464 = vector.shape_cast %get3A_463 : vector<1x1x16xf32> to vector<16xf32>
        %add3A_465 = arith.addf %scan3A_448, %get3A_464 : vector<16xf32>
        %get3A_466 = arith.constant 1 : i32
        %get3A_467 = arith.index_cast %get3A_466 : i32 to index
        %get3A_468 = arith.index_cast %add3A_459 : i32 to index
        %get3A_469 = arith.constant 16 : index
        %get3A_470 = tpu.vector_load %arg6[%get3A_467, %get3A_468, %get3A_469] {strides = array<i32>} : memref<4x200x64xf32, #tpu.memory_space<vmem>>, vector<1x1x16xf32>,
        %get3A_471 = vector.shape_cast %get3A_470 : vector<1x1x16xf32> to vector<16xf32>
        %add3A_472 = arith.addf %scan3A_450, %get3A_471 : vector<16xf32>
        %get3A_473 = arith.constant 1 : i32
        %get3A_474 = arith.index_cast %get3A_473 : i32 to index
        %get3A_475 = arith.index_cast %add3A_459 : i32 to index
        %get3A_476 = arith.constant 32 : index
        %get3A_477 = tpu.vector_load %arg6[%get3A_474, %get3A_475, %get3A_476] {strides = array<i32>} : memref<4x200x64xf32, #tpu.memory_space<vmem>>, vector<1x1x16xf32>,
        %get3A_478 = vector.shape_cast %get3A_477 : vector<1x1x16xf32> to vector<16xf32>
        %add3A_479 = arith.addf %scan3A_452, %get3A_478 : vector<16xf32>
        %get3A_480 = arith.constant 1 : i32
        %get3A_481 = arith.index_cast %get3A_480 : i32 to index
        %get3A_482 = arith.index_cast %add3A_459 : i32 to index
        %get3A_483 = arith.constant 48 : index
        %get3A_484 = tpu.vector_load %arg6[%get3A_481, %get3A_482, %get3A_483] {strides = array<i32>} : memref<4x200x64xf32, #tpu.memory_space<vmem>>, vector<1x1x16xf32>,
        %get3A_485 = vector.shape_cast %get3A_484 : vector<1x1x16xf32> to vector<16xf32>
        %add3A_486 = arith.addf %scan3A_454, %get3A_485 : vector<16xf32>
        %mul3A_487 = arith.constant 8 : i32
        %mul3A_488 = arith.muli %scan3A_447, %mul3A_487 : i32
        %add3A_489 = arith.constant 1 : i32
        %add3A_490 = arith.addi %mul3A_488, %add3A_489 : i32
        %get3A_491 = arith.constant 1 : i32
        %get3A_492 = arith.index_cast %get3A_491 : i32 to index
        %get3A_493 = arith.index_cast %add3A_490 : i32 to index
        %get3A_494 = arith.constant 0 : index
        %get3A_495 = tpu.vector_load %arg6[%get3A_492, %get3A_493, %get3A_494] {strides = array<i32>} : memref<4x200x64xf32, #tpu.memory_space<vmem>>, vector<1x1x16xf32>,
        %get3A_496 = vector.shape_cast %get3A_495 : vector<1x1x16xf32> to vector<16xf32>
        %add3A_497 = arith.addf %scan3A_449, %get3A_496 : vector<16xf32>
        %get3A_498 = arith.constant 1 : i32
        %get3A_499 = arith.index_cast %get3A_498 : i32 to index
        %get3A_500 = arith.index_cast %add3A_490 : i32 to index
        %get3A_501 = arith.constant 16 : index
        %get3A_502 = tpu.vector_load %arg6[%get3A_499, %get3A_500, %get3A_501] {strides = array<i32>} : memref<4x200x64xf32, #tpu.memory_space<vmem>>, vector<1x1x16xf32>,
        %get3A_503 = vector.shape_cast %get3A_502 : vector<1x1x16xf32> to vector<16xf32>
        %add3A_504 = arith.addf %scan3A_451, %get3A_503 : vector<16xf32>
        %get3A_505 = arith.constant 1 : i32
        %get3A_506 = arith.index_cast %get3A_505 : i32 to index
        %get3A_507 = arith.index_cast %add3A_490 : i32 to index
        %get3A_508 = arith.constant 32 : index
        %get3A_509 = tpu.vector_load %arg6[%get3A_506, %get3A_507, %get3A_508] {strides = array<i32>} : memref<4x200x64xf32, #tpu.memory_space<vmem>>, vector<1x1x16xf32>,
        %get3A_510 = vector.shape_cast %get3A_509 : vector<1x1x16xf32> to vector<16xf32>
        %add3A_511 = arith.addf %scan3A_453, %get3A_510 : vector<16xf32>
        %get3A_512 = arith.constant 1 : i32
        %get3A_513 = arith.index_cast %get3A_512 : i32 to index
        %get3A_514 = arith.index_cast %add3A_490 : i32 to index
        %get3A_515 = arith.constant 48 : index
        %get3A_516 = tpu.vector_load %arg6[%get3A_513, %get3A_514, %get3A_515] {strides = array<i32>} : memref<4x200x64xf32, #tpu.memory_space<vmem>>, vector<1x1x16xf32>,
        %get3A_517 = vector.shape_cast %get3A_516 : vector<1x1x16xf32> to vector<16xf32>
        %add3A_518 = arith.addf %scan3A_455, %get3A_517 : vector<16xf32>
        %mul3A_519 = arith.constant 8 : i32
        %mul3A_520 = arith.muli %scan3A_447, %mul3A_519 : i32
        %add3A_521 = arith.constant 2 : i32
        %add3A_522 = arith.addi %mul3A_520, %add3A_521 : i32
        %get3A_523 = arith.constant 1 : i32
        %get3A_524 = arith.index_cast %get3A_523 : i32 to index
        %get3A_525 = arith.index_cast %add3A_522 : i32 to index
        %get3A_526 = arith.constant 0 : index
        %get3A_527 = tpu.vector_load %arg6[%get3A_524, %get3A_525, %get3A_526] {strides = array<i32>} : memref<4x200x64xf32, #tpu.memory_space<vmem>>, vector<1x1x16xf32>,
        %get3A_528 = vector.shape_cast %get3A_527 : vector<1x1x16xf32> to vector<16xf32>
        %add3A_529 = arith.addf %add3A_465, %get3A_528 : vector<16xf32>
        %get3A_530 = arith.constant 1 : i32
        %get3A_531 = arith.index_cast %get3A_530 : i32 to index
        %get3A_532 = arith.index_cast %add3A_522 : i32 to index
        %get3A_533 = arith.constant 16 : index
        %get3A_534 = tpu.vector_load %arg6[%get3A_531, %get3A_532, %get3A_533] {strides = array<i32>} : memref<4x200x64xf32, #tpu.memory_space<vmem>>, vector<1x1x16xf32>,
        %get3A_535 = vector.shape_cast %get3A_534 : vector<1x1x16xf32> to vector<16xf32>
        %add3A_536 = arith.addf %add3A_472, %get3A_535 : vector<16xf32>
        %get3A_537 = arith.constant 1 : i32
        %get3A_538 = arith.index_cast %get3A_537 : i32 to index
        %get3A_539 = arith.index_cast %add3A_522 : i32 to index
        %get3A_540 = arith.constant 32 : index
        %get3A_541 = tpu.vector_load %arg6[%get3A_538, %get3A_539, %get3A_540] {strides = array<i32>} : memref<4x200x64xf32, #tpu.memory_space<vmem>>, vector<1x1x16xf32>,
        %get3A_542 = vector.shape_cast %get3A_541 : vector<1x1x16xf32> to vector<16xf32>
        %add3A_543 = arith.addf %add3A_479, %get3A_542 : vector<16xf32>
        %get3A_544 = arith.constant 1 : i32
        %get3A_545 = arith.index_cast %get3A_544 : i32 to index
        %get3A_546 = arith.index_cast %add3A_522 : i32 to index
        %get3A_547 = arith.constant 48 : index
        %get3A_548 = tpu.vector_load %arg6[%get3A_545, %get3A_546, %get3A_547] {strides = array<i32>} : memref<4x200x64xf32, #tpu.memory_space<vmem>>, vector<1x1x16xf32>,
        %get3A_549 = vector.shape_cast %get3A_548 : vector<1x1x16xf32> to vector<16xf32>
        %add3A_550 = arith.addf %add3A_486, %get3A_549 : vector<16xf32>
        %mul3A_551 = arith.constant 8 : i32
        %mul3A_552 = arith.muli %scan3A_447, %mul3A_551 : i32
        %add3A_553 = arith.constant 3 : i32
        %add3A_554 = arith.addi %mul3A_552, %add3A_553 : i32
        %get3A_555 = arith.constant 1 : i32
        %get3A_556 = arith.index_cast %get3A_555 : i32 to index
        %get3A_557 = arith.index_cast %add3A_554 : i32 to index
        %get3A_558 = arith.constant 0 : index
        %get3A_559 = tpu.vector_load %arg6[%get3A_556, %get3A_557, %get3A_558] {strides = array<i32>} : memref<4x200x64xf32, #tpu.memory_space<vmem>>, vector<1x1x16xf32>,
        %get3A_560 = vector.shape_cast %get3A_559 : vector<1x1x16xf32> to vector<16xf32>
        %add3A_561 = arith.addf %add3A_497, %get3A_560 : vector<16xf32>
        %get3A_562 = arith.constant 1 : i32
        %get3A_563 = arith.index_cast %get3A_562 : i32 to index
        %get3A_564 = arith.index_cast %add3A_554 : i32 to index
        %get3A_565 = arith.constant 16 : index
        %get3A_566 = tpu.vector_load %arg6[%get3A_563, %get3A_564, %get3A_565] {strides = array<i32>} : memref<4x200x64xf32, #tpu.memory_space<vmem>>, vector<1x1x16xf32>,
        %get3A_567 = vector.shape_cast %get3A_566 : vector<1x1x16xf32> to vector<16xf32>
        %add3A_568 = arith.addf %add3A_504, %get3A_567 : vector<16xf32>
        %get3A_569 = arith.constant 1 : i32
        %get3A_570 = arith.index_cast %get3A_569 : i32 to index
        %get3A_571 = arith.index_cast %add3A_554 : i32 to index
        %get3A_572 = arith.constant 32 : index
        %get3A_573 = tpu.vector_load %arg6[%get3A_570, %get3A_571, %get3A_572] {strides = array<i32>} : memref<4x200x64xf32, #tpu.memory_space<vmem>>, vector<1x1x16xf32>,
        %get3A_574 = vector.shape_cast %get3A_573 : vector<1x1x16xf32> to vector<16xf32>
        %add3A_575 = arith.addf %add3A_511, %get3A_574 : vector<16xf32>
        %get3A_576 = arith.constant 1 : i32
        %get3A_577 = arith.index_cast %get3A_576 : i32 to index
        %get3A_578 = arith.index_cast %add3A_554 : i32 to index
        %get3A_579 = arith.constant 48 : index
        %get3A_580 = tpu.vector_load %arg6[%get3A_577, %get3A_578, %get3A_579] {strides = array<i32>} : memref<4x200x64xf32, #tpu.memory_space<vmem>>, vector<1x1x16xf32>,
        %get3A_581 = vector.shape_cast %get3A_580 : vector<1x1x16xf32> to vector<16xf32>
        %add3A_582 = arith.addf %add3A_518, %get3A_581 : vector<16xf32>
        %mul3A_583 = arith.constant 8 : i32
        %mul3A_584 = arith.muli %scan3A_447, %mul3A_583 : i32
        %add3A_585 = arith.constant 4 : i32
        %add3A_586 = arith.addi %mul3A_584, %add3A_585 : i32
        %get3A_587 = arith.constant 1 : i32
        %get3A_588 = arith.index_cast %get3A_587 : i32 to index
        %get3A_589 = arith.index_cast %add3A_586 : i32 to index
        %get3A_590 = arith.constant 0 : index
        %get3A_591 = tpu.vector_load %arg6[%get3A_588, %get3A_589, %get3A_590] {strides = array<i32>} : memref<4x200x64xf32, #tpu.memory_space<vmem>>, vector<1x1x16xf32>,
        %get3A_592 = vector.shape_cast %get3A_591 : vector<1x1x16xf32> to vector<16xf32>
        %add3A_593 = arith.addf %add3A_529, %get3A_592 : vector<16xf32>
        %get3A_594 = arith.constant 1 : i32
        %get3A_595 = arith.index_cast %get3A_594 : i32 to index
        %get3A_596 = arith.index_cast %add3A_586 : i32 to index
        %get3A_597 = arith.constant 16 : index
        %get3A_598 = tpu.vector_load %arg6[%get3A_595, %get3A_596, %get3A_597] {strides = array<i32>} : memref<4x200x64xf32, #tpu.memory_space<vmem>>, vector<1x1x16xf32>,
        %get3A_599 = vector.shape_cast %get3A_598 : vector<1x1x16xf32> to vector<16xf32>
        %add3A_600 = arith.addf %add3A_536, %get3A_599 : vector<16xf32>
        %get3A_601 = arith.constant 1 : i32
        %get3A_602 = arith.index_cast %get3A_601 : i32 to index
        %get3A_603 = arith.index_cast %add3A_586 : i32 to index
        %get3A_604 = arith.constant 32 : index
        %get3A_605 = tpu.vector_load %arg6[%get3A_602, %get3A_603, %get3A_604] {strides = array<i32>} : memref<4x200x64xf32, #tpu.memory_space<vmem>>, vector<1x1x16xf32>,
        %get3A_606 = vector.shape_cast %get3A_605 : vector<1x1x16xf32> to vector<16xf32>
        %add3A_607 = arith.addf %add3A_543, %get3A_606 : vector<16xf32>
        %get3A_608 = arith.constant 1 : i32
        %get3A_609 = arith.index_cast %get3A_608 : i32 to index
        %get3A_610 = arith.index_cast %add3A_586 : i32 to index
        %get3A_611 = arith.constant 48 : index
        %get3A_612 = tpu.vector_load %arg6[%get3A_609, %get3A_610, %get3A_611] {strides = array<i32>} : memref<4x200x64xf32, #tpu.memory_space<vmem>>, vector<1x1x16xf32>,
        %get3A_613 = vector.shape_cast %get3A_612 : vector<1x1x16xf32> to vector<16xf32>
        %add3A_614 = arith.addf %add3A_550, %get3A_613 : vector<16xf32>
        %mul3A_615 = arith.constant 8 : i32
        %mul3A_616 = arith.muli %scan3A_447, %mul3A_615 : i32
        %add3A_617 = arith.constant 5 : i32
        %add3A_618 = arith.addi %mul3A_616, %add3A_617 : i32
        %get3A_619 = arith.constant 1 : i32
        %get3A_620 = arith.index_cast %get3A_619 : i32 to index
        %get3A_621 = arith.index_cast %add3A_618 : i32 to index
        %get3A_622 = arith.constant 0 : index
        %get3A_623 = tpu.vector_load %arg6[%get3A_620, %get3A_621, %get3A_622] {strides = array<i32>} : memref<4x200x64xf32, #tpu.memory_space<vmem>>, vector<1x1x16xf32>,
        %get3A_624 = vector.shape_cast %get3A_623 : vector<1x1x16xf32> to vector<16xf32>
        %add3A_625 = arith.addf %add3A_561, %get3A_624 : vector<16xf32>
        %get3A_626 = arith.constant 1 : i32
        %get3A_627 = arith.index_cast %get3A_626 : i32 to index
        %get3A_628 = arith.index_cast %add3A_618 : i32 to index
        %get3A_629 = arith.constant 16 : index
        %get3A_630 = tpu.vector_load %arg6[%get3A_627, %get3A_628, %get3A_629] {strides = array<i32>} : memref<4x200x64xf32, #tpu.memory_space<vmem>>, vector<1x1x16xf32>,
        %get3A_631 = vector.shape_cast %get3A_630 : vector<1x1x16xf32> to vector<16xf32>
        %add3A_632 = arith.addf %add3A_568, %get3A_631 : vector<16xf32>
        %get3A_633 = arith.constant 1 : i32
        %get3A_634 = arith.index_cast %get3A_633 : i32 to index
        %get3A_635 = arith.index_cast %add3A_618 : i32 to index
        %get3A_636 = arith.constant 32 : index
        %get3A_637 = tpu.vector_load %arg6[%get3A_634, %get3A_635, %get3A_636] {strides = array<i32>} : memref<4x200x64xf32, #tpu.memory_space<vmem>>, vector<1x1x16xf32>,
        %get3A_638 = vector.shape_cast %get3A_637 : vector<1x1x16xf32> to vector<16xf32>
        %add3A_639 = arith.addf %add3A_575, %get3A_638 : vector<16xf32>
        %get3A_640 = arith.constant 1 : i32
        %get3A_641 = arith.index_cast %get3A_640 : i32 to index
        %get3A_642 = arith.index_cast %add3A_618 : i32 to index
        %get3A_643 = arith.constant 48 : index
        %get3A_644 = tpu.vector_load %arg6[%get3A_641, %get3A_642, %get3A_643] {strides = array<i32>} : memref<4x200x64xf32, #tpu.memory_space<vmem>>, vector<1x1x16xf32>,
        %get3A_645 = vector.shape_cast %get3A_644 : vector<1x1x16xf32> to vector<16xf32>
        %add3A_646 = arith.addf %add3A_582, %get3A_645 : vector<16xf32>
        %mul3A_647 = arith.constant 8 : i32
        %mul3A_648 = arith.muli %scan3A_447, %mul3A_647 : i32
        %add3A_649 = arith.constant 6 : i32
        %add3A_650 = arith.addi %mul3A_648, %add3A_649 : i32
        %get3A_651 = arith.constant 1 : i32
        %get3A_652 = arith.index_cast %get3A_651 : i32 to index
        %get3A_653 = arith.index_cast %add3A_650 : i32 to index
        %get3A_654 = arith.constant 0 : index
        %get3A_655 = tpu.vector_load %arg6[%get3A_652, %get3A_653, %get3A_654] {strides = array<i32>} : memref<4x200x64xf32, #tpu.memory_space<vmem>>, vector<1x1x16xf32>,
        %get3A_656 = vector.shape_cast %get3A_655 : vector<1x1x16xf32> to vector<16xf32>
        %add3A_657 = arith.addf %add3A_593, %get3A_656 : vector<16xf32>
        %get3A_658 = arith.constant 1 : i32
        %get3A_659 = arith.index_cast %get3A_658 : i32 to index
        %get3A_660 = arith.index_cast %add3A_650 : i32 to index
        %get3A_661 = arith.constant 16 : index
        %get3A_662 = tpu.vector_load %arg6[%get3A_659, %get3A_660, %get3A_661] {strides = array<i32>} : memref<4x200x64xf32, #tpu.memory_space<vmem>>, vector<1x1x16xf32>,
        %get3A_663 = vector.shape_cast %get3A_662 : vector<1x1x16xf32> to vector<16xf32>
        %add3A_664 = arith.addf %add3A_600, %get3A_663 : vector<16xf32>
        %get3A_665 = arith.constant 1 : i32
        %get3A_666 = arith.index_cast %get3A_665 : i32 to index
        %get3A_667 = arith.index_cast %add3A_650 : i32 to index
        %get3A_668 = arith.constant 32 : index
        %get3A_669 = tpu.vector_load %arg6[%get3A_666, %get3A_667, %get3A_668] {strides = array<i32>} : memref<4x200x64xf32, #tpu.memory_space<vmem>>, vector<1x1x16xf32>,
        %get3A_670 = vector.shape_cast %get3A_669 : vector<1x1x16xf32> to vector<16xf32>
        %add3A_671 = arith.addf %add3A_607, %get3A_670 : vector<16xf32>
        %get3A_672 = arith.constant 1 : i32
        %get3A_673 = arith.index_cast %get3A_672 : i32 to index
        %get3A_674 = arith.index_cast %add3A_650 : i32 to index
        %get3A_675 = arith.constant 48 : index
        %get3A_676 = tpu.vector_load %arg6[%get3A_673, %get3A_674, %get3A_675] {strides = array<i32>} : memref<4x200x64xf32, #tpu.memory_space<vmem>>, vector<1x1x16xf32>,
        %get3A_677 = vector.shape_cast %get3A_676 : vector<1x1x16xf32> to vector<16xf32>
        %add3A_678 = arith.addf %add3A_614, %get3A_677 : vector<16xf32>
        %mul3A_679 = arith.constant 8 : i32
        %mul3A_680 = arith.muli %scan3A_447, %mul3A_679 : i32
        %add3A_681 = arith.constant 7 : i32
        %add3A_682 = arith.addi %mul3A_680, %add3A_681 : i32
        %get3A_683 = arith.constant 1 : i32
        %get3A_684 = arith.index_cast %get3A_683 : i32 to index
        %get3A_685 = arith.index_cast %add3A_682 : i32 to index
        %get3A_686 = arith.constant 0 : index
        %get3A_687 = tpu.vector_load %arg6[%get3A_684, %get3A_685, %get3A_686] {strides = array<i32>} : memref<4x200x64xf32, #tpu.memory_space<vmem>>, vector<1x1x16xf32>,
        %get3A_688 = vector.shape_cast %get3A_687 : vector<1x1x16xf32> to vector<16xf32>
        %add3A_689 = arith.addf %add3A_625, %get3A_688 : vector<16xf32>
        %get3A_690 = arith.constant 1 : i32
        %get3A_691 = arith.index_cast %get3A_690 : i32 to index
        %get3A_692 = arith.index_cast %add3A_682 : i32 to index
        %get3A_693 = arith.constant 16 : index
        %get3A_694 = tpu.vector_load %arg6[%get3A_691, %get3A_692, %get3A_693] {strides = array<i32>} : memref<4x200x64xf32, #tpu.memory_space<vmem>>, vector<1x1x16xf32>,
        %get3A_695 = vector.shape_cast %get3A_694 : vector<1x1x16xf32> to vector<16xf32>
        %add3A_696 = arith.addf %add3A_632, %get3A_695 : vector<16xf32>
        %get3A_697 = arith.constant 1 : i32
        %get3A_698 = arith.index_cast %get3A_697 : i32 to index
        %get3A_699 = arith.index_cast %add3A_682 : i32 to index
        %get3A_700 = arith.constant 32 : index
        %get3A_701 = tpu.vector_load %arg6[%get3A_698, %get3A_699, %get3A_700] {strides = array<i32>} : memref<4x200x64xf32, #tpu.memory_space<vmem>>, vector<1x1x16xf32>,
        %get3A_702 = vector.shape_cast %get3A_701 : vector<1x1x16xf32> to vector<16xf32>
        %add3A_703 = arith.addf %add3A_639, %get3A_702 : vector<16xf32>
        %get3A_704 = arith.constant 1 : i32
        %get3A_705 = arith.index_cast %get3A_704 : i32 to index
        %get3A_706 = arith.index_cast %add3A_682 : i32 to index
        %get3A_707 = arith.constant 48 : index
        %get3A_708 = tpu.vector_load %arg6[%get3A_705, %get3A_706, %get3A_707] {strides = array<i32>} : memref<4x200x64xf32, #tpu.memory_space<vmem>>, vector<1x1x16xf32>,
        %get3A_709 = vector.shape_cast %get3A_708 : vector<1x1x16xf32> to vector<16xf32>
        %add3A_710 = arith.addf %add3A_646, %get3A_709 : vector<16xf32>
        scf.yield %add3A_657, %add3A_689, %add3A_664, %add3A_696, %add3A_671, %add3A_703, %add3A_678, %add3A_710 : vector<16xf32>, vector<16xf32>, vector<16xf32>, vector<16xf32>, vector<16xf32>, vector<16xf32>, vector<16xf32>, vector<16xf32>
      }
      %scan3A_245 = arith.constant 25 : i32
      %add3A_246 = arith.addf %scan3A_244#0, %scan3A_244#1 : vector<16xf32>
      %mul3A_247 = vector.broadcast %scan3A_122 : f32 to vector<16xf32>
      %mul3A_248 = arith.mulf %add3A_246, %mul3A_247 : vector<16xf32>
      %swap3A_249 = arith.index_cast %add3A_207 : i32 to index
      %swap3A_250 = arith.constant 0 : index
      %swap3A_251 = tpu.vector_load %arg7[%swap3A_249, %swap3A_250] {strides = array<i32>} : memref<128x64xf32, #tpu.memory_space<vmem>>, vector<1x16xf32>,
      %swap3A_252 = vector.shape_cast %swap3A_251 : vector<1x16xf32> to vector<16xf32>
      %swap3A_253 = vector.shape_cast %mul3A_248 : vector<16xf32> to vector<1x16xf32>
      tpu.vector_store %arg7[%swap3A_249, %swap3A_250], %swap3A_253 {strides = array<i32>} : memref<128x64xf32, #tpu.memory_space<vmem>>, vector<1x16xf32>,
      %add3A_254 = arith.addf %scan3A_244#2, %scan3A_244#3 : vector<16xf32>
      %mul3A_255 = vector.broadcast %scan3A_122 : f32 to vector<16xf32>
      %mul3A_256 = arith.mulf %add3A_254, %mul3A_255 : vector<16xf32>
      %swap3A_257 = arith.index_cast %add3A_207 : i32 to index
      %swap3A_258 = arith.constant 16 : index
      %swap3A_259 = tpu.vector_load %arg7[%swap3A_257, %swap3A_258] {strides = array<i32>} : memref<128x64xf32, #tpu.memory_space<vmem>>, vector<1x16xf32>,
      %swap3A_260 = vector.shape_cast %swap3A_259 : vector<1x16xf32> to vector<16xf32>
      %swap3A_261 = vector.shape_cast %mul3A_256 : vector<16xf32> to vector<1x16xf32>
      tpu.vector_store %arg7[%swap3A_257, %swap3A_258], %swap3A_261 {strides = array<i32>} : memref<128x64xf32, #tpu.memory_space<vmem>>, vector<1x16xf32>,
      %add3A_262 = arith.addf %scan3A_244#4, %scan3A_244#5 : vector<16xf32>
      %mul3A_263 = vector.broadcast %scan3A_122 : f32 to vector<16xf32>
      %mul3A_264 = arith.mulf %add3A_262, %mul3A_263 : vector<16xf32>
      %swap3A_265 = arith.index_cast %add3A_207 : i32 to index
      %swap3A_266 = arith.constant 32 : index
      %swap3A_267 = tpu.vector_load %arg7[%swap3A_265, %swap3A_266] {strides = array<i32>} : memref<128x64xf32, #tpu.memory_space<vmem>>, vector<1x16xf32>,
      %swap3A_268 = vector.shape_cast %swap3A_267 : vector<1x16xf32> to vector<16xf32>
      %swap3A_269 = vector.shape_cast %mul3A_264 : vector<16xf32> to vector<1x16xf32>
      tpu.vector_store %arg7[%swap3A_265, %swap3A_266], %swap3A_269 {strides = array<i32>} : memref<128x64xf32, #tpu.memory_space<vmem>>, vector<1x16xf32>,
      %add3A_270 = arith.addf %scan3A_244#6, %scan3A_244#7 : vector<16xf32>
      %mul3A_271 = vector.broadcast %scan3A_122 : f32 to vector<16xf32>
      %mul3A_272 = arith.mulf %add3A_270, %mul3A_271 : vector<16xf32>
      %swap3A_273 = arith.index_cast %add3A_207 : i32 to index
      %swap3A_274 = arith.constant 48 : index
      %swap3A_275 = tpu.vector_load %arg7[%swap3A_273, %swap3A_274] {strides = array<i32>} : memref<128x64xf32, #tpu.memory_space<vmem>>, vector<1x16xf32>,
      %swap3A_276 = vector.shape_cast %swap3A_275 : vector<1x16xf32> to vector<16xf32>
      %swap3A_277 = vector.shape_cast %mul3A_272 : vector<16xf32> to vector<1x16xf32>
      tpu.vector_store %arg7[%swap3A_273, %swap3A_274], %swap3A_277 {strides = array<i32>} : memref<128x64xf32, #tpu.memory_space<vmem>>, vector<1x16xf32>,
      %add3A_278 = arith.constant 4 : i32
      %add3A_279 = arith.addi %add3A_207, %add3A_278 : i32
      %lt3A_280 = arith.constant 128 : i32
      %lt3A_281 = arith.cmpi slt, %add3A_279, %lt3A_280 : i32
      %convert_element_type3A_282 = arith.extui %lt3A_281 : i1 to i32
      %cond3A_283 = arith.constant 0 : i32
      %cond3A_284 = arith.cmpi ne, %convert_element_type3A_282, %cond3A_283 : i32
      scf.if %cond3A_284 {
        %add3A_447 = arith.constant 4 : i32
        %add3A_448 = arith.addi %add3A_207, %add3A_447 : i32
        %dma_start3A_449 = arith.constant 1 : i32
        %dma_start3A_450 = arith.constant 1 : i32
        %dma_start3A_451 = arith.constant 0 : i32
        %dma_start3A_452 = arith.constant 0 : i32
        %dma_start3A_453 = tpu.memref_slice %arg6[%dma_start3A_449, %dma_start3A_451, %dma_start3A_452] : memref<4x200x64xf32, #tpu.memory_space<vmem>> -> memref<1x128x64xf32, #tpu.memory_space<vmem>>
        %dma_start3A_454 = tpu.memref_squeeze %dma_start3A_453 : memref<1x128x64xf32, #tpu.memory_space<vmem>> -> memref<128x64xf32, #tpu.memory_space<vmem>>
        %dma_start3A_455 = arith.constant 0 : i32
        %dma_start3A_456 = tpu.memref_slice %arg5[%add3A_448, %dma_start3A_455] : memref<128x200xi32, #tpu.memory_space<vmem>> -> memref<1x128xi32, #tpu.memory_space<vmem>>
        %dma_start3A_457 = tpu.memref_squeeze %dma_start3A_456 : memref<1x128xi32, #tpu.memory_space<vmem>> -> memref<128xi32, #tpu.memory_space<vmem>>
        %dma_start3A_458 = arith.constant 0 : i32
        %dma_start3A_459 = arith.constant 0 : i32
        %dma_start3A_460 = tpu.memref_slice %arg3[%dma_start3A_458, %dma_start3A_459] : memref<1007616x64xf32, #tpu.memory_space<hbm>> -> memref<1007616x64xf32, #tpu.memory_space<hbm>>
        %dma_start3A_461 = tpu.memref_slice %arg8[%dma_start3A_450] : memref<4x!tpu.dma_semaphore, #tpu.memory_space<semaphore_mem>> -> memref<1x!tpu.dma_semaphore, #tpu.memory_space<semaphore_mem>>
        %dma_start3A_462 = tpu.memref_squeeze %dma_start3A_461 : memref<1x!tpu.dma_semaphore, #tpu.memory_space<semaphore_mem>> -> memref<!tpu.dma_semaphore, #tpu.memory_space<semaphore_mem>>
        tpu.enqueue_indirect_dma source(%dma_start3A_460 : memref<1007616x64xf32, #tpu.memory_space<hbm>>) target(%dma_start3A_454 : memref<128x64xf32, #tpu.memory_space<vmem>>) offsets(%dma_start3A_457 : memref<128xi32, #tpu.memory_space<vmem>>) semaphore(%dma_start3A_462 : memref<!tpu.dma_semaphore, #tpu.memory_space<semaphore_mem>>)
        %dma_start3A_463 = arith.constant 1 : i32
        %dma_start3A_464 = arith.constant 1 : i32
        %dma_start3A_465 = arith.constant 128 : i32
        %dma_start3A_466 = arith.constant 0 : i32
        %dma_start3A_467 = tpu.memref_slice %arg6[%dma_start3A_463, %dma_start3A_465, %dma_start3A_466] : memref<4x200x64xf32, #tpu.memory_space<vmem>> -> memref<1x72x64xf32, #tpu.memory_space<vmem>>
        %dma_start3A_468 = tpu.memref_squeeze %dma_start3A_467 : memref<1x72x64xf32, #tpu.memory_space<vmem>> -> memref<72x64xf32, #tpu.memory_space<vmem>>
        %dma_start3A_469 = arith.constant 128 : i32
        %dma_start3A_470 = tpu.memref_slice %arg5[%add3A_448, %dma_start3A_469] : memref<128x200xi32, #tpu.memory_space<vmem>> -> memref<1x72xi32, #tpu.memory_space<vmem>>
        %dma_start3A_471 = tpu.memref_squeeze %dma_start3A_470 : memref<1x72xi32, #tpu.memory_space<vmem>> -> memref<72xi32, #tpu.memory_space<vmem>>
        %dma_start3A_472 = arith.constant 0 : i32
        %dma_start3A_473 = arith.constant 0 : i32
        %dma_start3A_474 = tpu.memref_slice %arg3[%dma_start3A_472, %dma_start3A_473] : memref<1007616x64xf32, #tpu.memory_space<hbm>> -> memref<1007616x64xf32, #tpu.memory_space<hbm>>
        %dma_start3A_475 = tpu.memref_slice %arg8[%dma_start3A_464] : memref<4x!tpu.dma_semaphore, #tpu.memory_space<semaphore_mem>> -> memref<1x!tpu.dma_semaphore, #tpu.memory_space<semaphore_mem>>
        %dma_start3A_476 = tpu.memref_squeeze %dma_start3A_475 : memref<1x!tpu.dma_semaphore, #tpu.memory_space<semaphore_mem>> -> memref<!tpu.dma_semaphore, #tpu.memory_space<semaphore_mem>>
        tpu.enqueue_indirect_dma source(%dma_start3A_474 : memref<1007616x64xf32, #tpu.memory_space<hbm>>) target(%dma_start3A_468 : memref<72x64xf32, #tpu.memory_space<vmem>>) offsets(%dma_start3A_471 : memref<72xi32, #tpu.memory_space<vmem>>) semaphore(%dma_start3A_476 : memref<!tpu.dma_semaphore, #tpu.memory_space<semaphore_mem>>)
      } else {
      }
      %mul3A_285 = arith.constant 4 : i32
      %mul3A_286 = arith.muli %scan3A_128, %mul3A_285 : i32
      %add3A_287 = arith.constant 2 : i32
      %add3A_288 = arith.addi %mul3A_286, %add3A_287 : i32
      %dma_wait3A_289 = arith.constant 0 : i32
      %dma_wait3A_290 = arith.constant 2 : i32
      %dma_wait3A_291 = arith.constant 2 : i32
      %dma_wait3A_292 = arith.constant 0 : i32
      %dma_wait3A_293 = arith.constant 0 : i32
      %dma_wait3A_294 = tpu.memref_slice %arg6[%dma_wait3A_290, %dma_wait3A_292, %dma_wait3A_293] : memref<4x200x64xf32, #tpu.memory_space<vmem>> -> memref<1x128x64xf32, #tpu.memory_space<vmem>>
      %dma_wait3A_295 = tpu.memref_squeeze %dma_wait3A_294 : memref<1x128x64xf32, #tpu.memory_space<vmem>> -> memref<128x64xf32, #tpu.memory_space<vmem>>
      %dma_wait3A_296 = arith.constant 0 : i32
      %dma_wait3A_297 = tpu.memref_slice %arg5[%dma_wait3A_289, %dma_wait3A_296] : memref<128x200xi32, #tpu.memory_space<vmem>> -> memref<1x128xi32, #tpu.memory_space<vmem>>
      %dma_wait3A_298 = tpu.memref_squeeze %dma_wait3A_297 : memref<1x128xi32, #tpu.memory_space<vmem>> -> memref<128xi32, #tpu.memory_space<vmem>>
      %dma_wait3A_299 = arith.constant 0 : i32
      %dma_wait3A_300 = arith.constant 0 : i32
      %dma_wait3A_301 = tpu.memref_slice %arg3[%dma_wait3A_299, %dma_wait3A_300] : memref<1007616x64xf32, #tpu.memory_space<hbm>> -> memref<1007616x64xf32, #tpu.memory_space<hbm>>
      %dma_wait3A_302 = tpu.memref_slice %arg8[%dma_wait3A_291] : memref<4x!tpu.dma_semaphore, #tpu.memory_space<semaphore_mem>> -> memref<1x!tpu.dma_semaphore, #tpu.memory_space<semaphore_mem>>
      %dma_wait3A_303 = tpu.memref_squeeze %dma_wait3A_302 : memref<1x!tpu.dma_semaphore, #tpu.memory_space<semaphore_mem>> -> memref<!tpu.dma_semaphore, #tpu.memory_space<semaphore_mem>>
      tpu.wait_indirect_dma semaphore(%dma_wait3A_303 : memref<!tpu.dma_semaphore, #tpu.memory_space<semaphore_mem>>) src(%dma_wait3A_301 : memref<1007616x64xf32, #tpu.memory_space<hbm>>) dst(%dma_wait3A_295 : memref<128x64xf32, #tpu.memory_space<vmem>>)
      %dma_wait3A_304 = arith.constant 0 : i32
      %dma_wait3A_305 = arith.constant 2 : i32
      %dma_wait3A_306 = arith.constant 2 : i32
      %dma_wait3A_307 = arith.constant 128 : i32
      %dma_wait3A_308 = arith.constant 0 : i32
      %dma_wait3A_309 = tpu.memref_slice %arg6[%dma_wait3A_305, %dma_wait3A_307, %dma_wait3A_308] : memref<4x200x64xf32, #tpu.memory_space<vmem>> -> memref<1x72x64xf32, #tpu.memory_space<vmem>>
      %dma_wait3A_310 = tpu.memref_squeeze %dma_wait3A_309 : memref<1x72x64xf32, #tpu.memory_space<vmem>> -> memref<72x64xf32, #tpu.memory_space<vmem>>
      %dma_wait3A_311 = arith.constant 128 : i32
      %dma_wait3A_312 = tpu.memref_slice %arg5[%dma_wait3A_304, %dma_wait3A_311] : memref<128x200xi32, #tpu.memory_space<vmem>> -> memref<1x72xi32, #tpu.memory_space<vmem>>
      %dma_wait3A_313 = tpu.memref_squeeze %dma_wait3A_312 : memref<1x72xi32, #tpu.memory_space<vmem>> -> memref<72xi32, #tpu.memory_space<vmem>>
      %dma_wait3A_314 = arith.constant 0 : i32
      %dma_wait3A_315 = arith.constant 0 : i32
      %dma_wait3A_316 = tpu.memref_slice %arg3[%dma_wait3A_314, %dma_wait3A_315] : memref<1007616x64xf32, #tpu.memory_space<hbm>> -> memref<1007616x64xf32, #tpu.memory_space<hbm>>
      %dma_wait3A_317 = tpu.memref_slice %arg8[%dma_wait3A_306] : memref<4x!tpu.dma_semaphore, #tpu.memory_space<semaphore_mem>> -> memref<1x!tpu.dma_semaphore, #tpu.memory_space<semaphore_mem>>
      %dma_wait3A_318 = tpu.memref_squeeze %dma_wait3A_317 : memref<1x!tpu.dma_semaphore, #tpu.memory_space<semaphore_mem>> -> memref<!tpu.dma_semaphore, #tpu.memory_space<semaphore_mem>>
      tpu.wait_indirect_dma semaphore(%dma_wait3A_318 : memref<!tpu.dma_semaphore, #tpu.memory_space<semaphore_mem>>) src(%dma_wait3A_316 : memref<1007616x64xf32, #tpu.memory_space<hbm>>) dst(%dma_wait3A_310 : memref<72x64xf32, #tpu.memory_space<vmem>>)
      %broadcast_in_dim3A_319 = arith.constant 0.000000e+00 : f32
      %broadcast_in_dim3A_320 = vector.broadcast %broadcast_in_dim3A_319 : f32 to vector<16xf32>
      %scan3A_321 = arith.constant 0 : i32
      %scan3A_322 = arith.constant 25 : i32
      %scan3A_323 = arith.addi %scan3A_321, %scan3A_322 : i32
      %scan3A_324 = arith.constant 1 : i32
      %scan3A_325:8 = scf.for %scan3A_447 = %scan3A_321 to %scan3A_323 step %scan3A_324 iter_args(%scan3A_448 = %broadcast_in_dim3A_320, %scan3A_449 = %broadcast_in_dim3A_320, %scan3A_450 = %broadcast_in_dim3A_320, %scan3A_451 = %broadcast_in_dim3A_320, %scan3A_452 = %broadcast_in_dim3A_320, %scan3A_453 = %broadcast_in_dim3A_320, %scan3A_454 = %broadcast_in_dim3A_320, %scan3A_455 = %broadcast_in_dim3A_320) -> (vector<16xf32>, vector<16xf32>, vector<16xf32>, vector<16xf32>, vector<16xf32>, vector<16xf32>, vector<16xf32>, vector<16xf32>)  : i32 {
        %mul3A_456 = arith.constant 8 : i32
        %mul3A_457 = arith.muli %scan3A_447, %mul3A_456 : i32
        %add3A_458 = arith.constant 0 : i32
        %add3A_459 = arith.addi %mul3A_457, %add3A_458 : i32
        %get3A = arith.constant 2 : i32
        %get3A_460 = arith.index_cast %get3A : i32 to index
        %get3A_461 = arith.index_cast %add3A_459 : i32 to index
        %get3A_462 = arith.constant 0 : index
        %get3A_463 = tpu.vector_load %arg6[%get3A_460, %get3A_461, %get3A_462] {strides = array<i32>} : memref<4x200x64xf32, #tpu.memory_space<vmem>>, vector<1x1x16xf32>,
        %get3A_464 = vector.shape_cast %get3A_463 : vector<1x1x16xf32> to vector<16xf32>
        %add3A_465 = arith.addf %scan3A_448, %get3A_464 : vector<16xf32>
        %get3A_466 = arith.constant 2 : i32
        %get3A_467 = arith.index_cast %get3A_466 : i32 to index
        %get3A_468 = arith.index_cast %add3A_459 : i32 to index
        %get3A_469 = arith.constant 16 : index
        %get3A_470 = tpu.vector_load %arg6[%get3A_467, %get3A_468, %get3A_469] {strides = array<i32>} : memref<4x200x64xf32, #tpu.memory_space<vmem>>, vector<1x1x16xf32>,
        %get3A_471 = vector.shape_cast %get3A_470 : vector<1x1x16xf32> to vector<16xf32>
        %add3A_472 = arith.addf %scan3A_450, %get3A_471 : vector<16xf32>
        %get3A_473 = arith.constant 2 : i32
        %get3A_474 = arith.index_cast %get3A_473 : i32 to index
        %get3A_475 = arith.index_cast %add3A_459 : i32 to index
        %get3A_476 = arith.constant 32 : index
        %get3A_477 = tpu.vector_load %arg6[%get3A_474, %get3A_475, %get3A_476] {strides = array<i32>} : memref<4x200x64xf32, #tpu.memory_space<vmem>>, vector<1x1x16xf32>,
        %get3A_478 = vector.shape_cast %get3A_477 : vector<1x1x16xf32> to vector<16xf32>
        %add3A_479 = arith.addf %scan3A_452, %get3A_478 : vector<16xf32>
        %get3A_480 = arith.constant 2 : i32
        %get3A_481 = arith.index_cast %get3A_480 : i32 to index
        %get3A_482 = arith.index_cast %add3A_459 : i32 to index
        %get3A_483 = arith.constant 48 : index
        %get3A_484 = tpu.vector_load %arg6[%get3A_481, %get3A_482, %get3A_483] {strides = array<i32>} : memref<4x200x64xf32, #tpu.memory_space<vmem>>, vector<1x1x16xf32>,
        %get3A_485 = vector.shape_cast %get3A_484 : vector<1x1x16xf32> to vector<16xf32>
        %add3A_486 = arith.addf %scan3A_454, %get3A_485 : vector<16xf32>
        %mul3A_487 = arith.constant 8 : i32
        %mul3A_488 = arith.muli %scan3A_447, %mul3A_487 : i32
        %add3A_489 = arith.constant 1 : i32
        %add3A_490 = arith.addi %mul3A_488, %add3A_489 : i32
        %get3A_491 = arith.constant 2 : i32
        %get3A_492 = arith.index_cast %get3A_491 : i32 to index
        %get3A_493 = arith.index_cast %add3A_490 : i32 to index
        %get3A_494 = arith.constant 0 : index
        %get3A_495 = tpu.vector_load %arg6[%get3A_492, %get3A_493, %get3A_494] {strides = array<i32>} : memref<4x200x64xf32, #tpu.memory_space<vmem>>, vector<1x1x16xf32>,
        %get3A_496 = vector.shape_cast %get3A_495 : vector<1x1x16xf32> to vector<16xf32>
        %add3A_497 = arith.addf %scan3A_449, %get3A_496 : vector<16xf32>
        %get3A_498 = arith.constant 2 : i32
        %get3A_499 = arith.index_cast %get3A_498 : i32 to index
        %get3A_500 = arith.index_cast %add3A_490 : i32 to index
        %get3A_501 = arith.constant 16 : index
        %get3A_502 = tpu.vector_load %arg6[%get3A_499, %get3A_500, %get3A_501] {strides = array<i32>} : memref<4x200x64xf32, #tpu.memory_space<vmem>>, vector<1x1x16xf32>,
        %get3A_503 = vector.shape_cast %get3A_502 : vector<1x1x16xf32> to vector<16xf32>
        %add3A_504 = arith.addf %scan3A_451, %get3A_503 : vector<16xf32>
        %get3A_505 = arith.constant 2 : i32
        %get3A_506 = arith.index_cast %get3A_505 : i32 to index
        %get3A_507 = arith.index_cast %add3A_490 : i32 to index
        %get3A_508 = arith.constant 32 : index
        %get3A_509 = tpu.vector_load %arg6[%get3A_506, %get3A_507, %get3A_508] {strides = array<i32>} : memref<4x200x64xf32, #tpu.memory_space<vmem>>, vector<1x1x16xf32>,
        %get3A_510 = vector.shape_cast %get3A_509 : vector<1x1x16xf32> to vector<16xf32>
        %add3A_511 = arith.addf %scan3A_453, %get3A_510 : vector<16xf32>
        %get3A_512 = arith.constant 2 : i32
        %get3A_513 = arith.index_cast %get3A_512 : i32 to index
        %get3A_514 = arith.index_cast %add3A_490 : i32 to index
        %get3A_515 = arith.constant 48 : index
        %get3A_516 = tpu.vector_load %arg6[%get3A_513, %get3A_514, %get3A_515] {strides = array<i32>} : memref<4x200x64xf32, #tpu.memory_space<vmem>>, vector<1x1x16xf32>,
        %get3A_517 = vector.shape_cast %get3A_516 : vector<1x1x16xf32> to vector<16xf32>
        %add3A_518 = arith.addf %scan3A_455, %get3A_517 : vector<16xf32>
        %mul3A_519 = arith.constant 8 : i32
        %mul3A_520 = arith.muli %scan3A_447, %mul3A_519 : i32
        %add3A_521 = arith.constant 2 : i32
        %add3A_522 = arith.addi %mul3A_520, %add3A_521 : i32
        %get3A_523 = arith.constant 2 : i32
        %get3A_524 = arith.index_cast %get3A_523 : i32 to index
        %get3A_525 = arith.index_cast %add3A_522 : i32 to index
        %get3A_526 = arith.constant 0 : index
        %get3A_527 = tpu.vector_load %arg6[%get3A_524, %get3A_525, %get3A_526] {strides = array<i32>} : memref<4x200x64xf32, #tpu.memory_space<vmem>>, vector<1x1x16xf32>,
        %get3A_528 = vector.shape_cast %get3A_527 : vector<1x1x16xf32> to vector<16xf32>
        %add3A_529 = arith.addf %add3A_465, %get3A_528 : vector<16xf32>
        %get3A_530 = arith.constant 2 : i32
        %get3A_531 = arith.index_cast %get3A_530 : i32 to index
        %get3A_532 = arith.index_cast %add3A_522 : i32 to index
        %get3A_533 = arith.constant 16 : index
        %get3A_534 = tpu.vector_load %arg6[%get3A_531, %get3A_532, %get3A_533] {strides = array<i32>} : memref<4x200x64xf32, #tpu.memory_space<vmem>>, vector<1x1x16xf32>,
        %get3A_535 = vector.shape_cast %get3A_534 : vector<1x1x16xf32> to vector<16xf32>
        %add3A_536 = arith.addf %add3A_472, %get3A_535 : vector<16xf32>
        %get3A_537 = arith.constant 2 : i32
        %get3A_538 = arith.index_cast %get3A_537 : i32 to index
        %get3A_539 = arith.index_cast %add3A_522 : i32 to index
        %get3A_540 = arith.constant 32 : index
        %get3A_541 = tpu.vector_load %arg6[%get3A_538, %get3A_539, %get3A_540] {strides = array<i32>} : memref<4x200x64xf32, #tpu.memory_space<vmem>>, vector<1x1x16xf32>,
        %get3A_542 = vector.shape_cast %get3A_541 : vector<1x1x16xf32> to vector<16xf32>
        %add3A_543 = arith.addf %add3A_479, %get3A_542 : vector<16xf32>
        %get3A_544 = arith.constant 2 : i32
        %get3A_545 = arith.index_cast %get3A_544 : i32 to index
        %get3A_546 = arith.index_cast %add3A_522 : i32 to index
        %get3A_547 = arith.constant 48 : index
        %get3A_548 = tpu.vector_load %arg6[%get3A_545, %get3A_546, %get3A_547] {strides = array<i32>} : memref<4x200x64xf32, #tpu.memory_space<vmem>>, vector<1x1x16xf32>,
        %get3A_549 = vector.shape_cast %get3A_548 : vector<1x1x16xf32> to vector<16xf32>
        %add3A_550 = arith.addf %add3A_486, %get3A_549 : vector<16xf32>
        %mul3A_551 = arith.constant 8 : i32
        %mul3A_552 = arith.muli %scan3A_447, %mul3A_551 : i32
        %add3A_553 = arith.constant 3 : i32
        %add3A_554 = arith.addi %mul3A_552, %add3A_553 : i32
        %get3A_555 = arith.constant 2 : i32
        %get3A_556 = arith.index_cast %get3A_555 : i32 to index
        %get3A_557 = arith.index_cast %add3A_554 : i32 to index
        %get3A_558 = arith.constant 0 : index
        %get3A_559 = tpu.vector_load %arg6[%get3A_556, %get3A_557, %get3A_558] {strides = array<i32>} : memref<4x200x64xf32, #tpu.memory_space<vmem>>, vector<1x1x16xf32>,
        %get3A_560 = vector.shape_cast %get3A_559 : vector<1x1x16xf32> to vector<16xf32>
        %add3A_561 = arith.addf %add3A_497, %get3A_560 : vector<16xf32>
        %get3A_562 = arith.constant 2 : i32
        %get3A_563 = arith.index_cast %get3A_562 : i32 to index
        %get3A_564 = arith.index_cast %add3A_554 : i32 to index
        %get3A_565 = arith.constant 16 : index
        %get3A_566 = tpu.vector_load %arg6[%get3A_563, %get3A_564, %get3A_565] {strides = array<i32>} : memref<4x200x64xf32, #tpu.memory_space<vmem>>, vector<1x1x16xf32>,
        %get3A_567 = vector.shape_cast %get3A_566 : vector<1x1x16xf32> to vector<16xf32>
        %add3A_568 = arith.addf %add3A_504, %get3A_567 : vector<16xf32>
        %get3A_569 = arith.constant 2 : i32
        %get3A_570 = arith.index_cast %get3A_569 : i32 to index
        %get3A_571 = arith.index_cast %add3A_554 : i32 to index
        %get3A_572 = arith.constant 32 : index
        %get3A_573 = tpu.vector_load %arg6[%get3A_570, %get3A_571, %get3A_572] {strides = array<i32>} : memref<4x200x64xf32, #tpu.memory_space<vmem>>, vector<1x1x16xf32>,
        %get3A_574 = vector.shape_cast %get3A_573 : vector<1x1x16xf32> to vector<16xf32>
        %add3A_575 = arith.addf %add3A_511, %get3A_574 : vector<16xf32>
        %get3A_576 = arith.constant 2 : i32
        %get3A_577 = arith.index_cast %get3A_576 : i32 to index
        %get3A_578 = arith.index_cast %add3A_554 : i32 to index
        %get3A_579 = arith.constant 48 : index
        %get3A_580 = tpu.vector_load %arg6[%get3A_577, %get3A_578, %get3A_579] {strides = array<i32>} : memref<4x200x64xf32, #tpu.memory_space<vmem>>, vector<1x1x16xf32>,
        %get3A_581 = vector.shape_cast %get3A_580 : vector<1x1x16xf32> to vector<16xf32>
        %add3A_582 = arith.addf %add3A_518, %get3A_581 : vector<16xf32>
        %mul3A_583 = arith.constant 8 : i32
        %mul3A_584 = arith.muli %scan3A_447, %mul3A_583 : i32
        %add3A_585 = arith.constant 4 : i32
        %add3A_586 = arith.addi %mul3A_584, %add3A_585 : i32
        %get3A_587 = arith.constant 2 : i32
        %get3A_588 = arith.index_cast %get3A_587 : i32 to index
        %get3A_589 = arith.index_cast %add3A_586 : i32 to index
        %get3A_590 = arith.constant 0 : index
        %get3A_591 = tpu.vector_load %arg6[%get3A_588, %get3A_589, %get3A_590] {strides = array<i32>} : memref<4x200x64xf32, #tpu.memory_space<vmem>>, vector<1x1x16xf32>,
        %get3A_592 = vector.shape_cast %get3A_591 : vector<1x1x16xf32> to vector<16xf32>
        %add3A_593 = arith.addf %add3A_529, %get3A_592 : vector<16xf32>
        %get3A_594 = arith.constant 2 : i32
        %get3A_595 = arith.index_cast %get3A_594 : i32 to index
        %get3A_596 = arith.index_cast %add3A_586 : i32 to index
        %get3A_597 = arith.constant 16 : index
        %get3A_598 = tpu.vector_load %arg6[%get3A_595, %get3A_596, %get3A_597] {strides = array<i32>} : memref<4x200x64xf32, #tpu.memory_space<vmem>>, vector<1x1x16xf32>,
        %get3A_599 = vector.shape_cast %get3A_598 : vector<1x1x16xf32> to vector<16xf32>
        %add3A_600 = arith.addf %add3A_536, %get3A_599 : vector<16xf32>
        %get3A_601 = arith.constant 2 : i32
        %get3A_602 = arith.index_cast %get3A_601 : i32 to index
        %get3A_603 = arith.index_cast %add3A_586 : i32 to index
        %get3A_604 = arith.constant 32 : index
        %get3A_605 = tpu.vector_load %arg6[%get3A_602, %get3A_603, %get3A_604] {strides = array<i32>} : memref<4x200x64xf32, #tpu.memory_space<vmem>>, vector<1x1x16xf32>,
        %get3A_606 = vector.shape_cast %get3A_605 : vector<1x1x16xf32> to vector<16xf32>
        %add3A_607 = arith.addf %add3A_543, %get3A_606 : vector<16xf32>
        %get3A_608 = arith.constant 2 : i32
        %get3A_609 = arith.index_cast %get3A_608 : i32 to index
        %get3A_610 = arith.index_cast %add3A_586 : i32 to index
        %get3A_611 = arith.constant 48 : index
        %get3A_612 = tpu.vector_load %arg6[%get3A_609, %get3A_610, %get3A_611] {strides = array<i32>} : memref<4x200x64xf32, #tpu.memory_space<vmem>>, vector<1x1x16xf32>,
        %get3A_613 = vector.shape_cast %get3A_612 : vector<1x1x16xf32> to vector<16xf32>
        %add3A_614 = arith.addf %add3A_550, %get3A_613 : vector<16xf32>
        %mul3A_615 = arith.constant 8 : i32
        %mul3A_616 = arith.muli %scan3A_447, %mul3A_615 : i32
        %add3A_617 = arith.constant 5 : i32
        %add3A_618 = arith.addi %mul3A_616, %add3A_617 : i32
        %get3A_619 = arith.constant 2 : i32
        %get3A_620 = arith.index_cast %get3A_619 : i32 to index
        %get3A_621 = arith.index_cast %add3A_618 : i32 to index
        %get3A_622 = arith.constant 0 : index
        %get3A_623 = tpu.vector_load %arg6[%get3A_620, %get3A_621, %get3A_622] {strides = array<i32>} : memref<4x200x64xf32, #tpu.memory_space<vmem>>, vector<1x1x16xf32>,
        %get3A_624 = vector.shape_cast %get3A_623 : vector<1x1x16xf32> to vector<16xf32>
        %add3A_625 = arith.addf %add3A_561, %get3A_624 : vector<16xf32>
        %get3A_626 = arith.constant 2 : i32
        %get3A_627 = arith.index_cast %get3A_626 : i32 to index
        %get3A_628 = arith.index_cast %add3A_618 : i32 to index
        %get3A_629 = arith.constant 16 : index
        %get3A_630 = tpu.vector_load %arg6[%get3A_627, %get3A_628, %get3A_629] {strides = array<i32>} : memref<4x200x64xf32, #tpu.memory_space<vmem>>, vector<1x1x16xf32>,
        %get3A_631 = vector.shape_cast %get3A_630 : vector<1x1x16xf32> to vector<16xf32>
        %add3A_632 = arith.addf %add3A_568, %get3A_631 : vector<16xf32>
        %get3A_633 = arith.constant 2 : i32
        %get3A_634 = arith.index_cast %get3A_633 : i32 to index
        %get3A_635 = arith.index_cast %add3A_618 : i32 to index
        %get3A_636 = arith.constant 32 : index
        %get3A_637 = tpu.vector_load %arg6[%get3A_634, %get3A_635, %get3A_636] {strides = array<i32>} : memref<4x200x64xf32, #tpu.memory_space<vmem>>, vector<1x1x16xf32>,
        %get3A_638 = vector.shape_cast %get3A_637 : vector<1x1x16xf32> to vector<16xf32>
        %add3A_639 = arith.addf %add3A_575, %get3A_638 : vector<16xf32>
        %get3A_640 = arith.constant 2 : i32
        %get3A_641 = arith.index_cast %get3A_640 : i32 to index
        %get3A_642 = arith.index_cast %add3A_618 : i32 to index
        %get3A_643 = arith.constant 48 : index
        %get3A_644 = tpu.vector_load %arg6[%get3A_641, %get3A_642, %get3A_643] {strides = array<i32>} : memref<4x200x64xf32, #tpu.memory_space<vmem>>, vector<1x1x16xf32>,
        %get3A_645 = vector.shape_cast %get3A_644 : vector<1x1x16xf32> to vector<16xf32>
        %add3A_646 = arith.addf %add3A_582, %get3A_645 : vector<16xf32>
        %mul3A_647 = arith.constant 8 : i32
        %mul3A_648 = arith.muli %scan3A_447, %mul3A_647 : i32
        %add3A_649 = arith.constant 6 : i32
        %add3A_650 = arith.addi %mul3A_648, %add3A_649 : i32
        %get3A_651 = arith.constant 2 : i32
        %get3A_652 = arith.index_cast %get3A_651 : i32 to index
        %get3A_653 = arith.index_cast %add3A_650 : i32 to index
        %get3A_654 = arith.constant 0 : index
        %get3A_655 = tpu.vector_load %arg6[%get3A_652, %get3A_653, %get3A_654] {strides = array<i32>} : memref<4x200x64xf32, #tpu.memory_space<vmem>>, vector<1x1x16xf32>,
        %get3A_656 = vector.shape_cast %get3A_655 : vector<1x1x16xf32> to vector<16xf32>
        %add3A_657 = arith.addf %add3A_593, %get3A_656 : vector<16xf32>
        %get3A_658 = arith.constant 2 : i32
        %get3A_659 = arith.index_cast %get3A_658 : i32 to index
        %get3A_660 = arith.index_cast %add3A_650 : i32 to index
        %get3A_661 = arith.constant 16 : index
        %get3A_662 = tpu.vector_load %arg6[%get3A_659, %get3A_660, %get3A_661] {strides = array<i32>} : memref<4x200x64xf32, #tpu.memory_space<vmem>>, vector<1x1x16xf32>,
        %get3A_663 = vector.shape_cast %get3A_662 : vector<1x1x16xf32> to vector<16xf32>
        %add3A_664 = arith.addf %add3A_600, %get3A_663 : vector<16xf32>
        %get3A_665 = arith.constant 2 : i32
        %get3A_666 = arith.index_cast %get3A_665 : i32 to index
        %get3A_667 = arith.index_cast %add3A_650 : i32 to index
        %get3A_668 = arith.constant 32 : index
        %get3A_669 = tpu.vector_load %arg6[%get3A_666, %get3A_667, %get3A_668] {strides = array<i32>} : memref<4x200x64xf32, #tpu.memory_space<vmem>>, vector<1x1x16xf32>,
        %get3A_670 = vector.shape_cast %get3A_669 : vector<1x1x16xf32> to vector<16xf32>
        %add3A_671 = arith.addf %add3A_607, %get3A_670 : vector<16xf32>
        %get3A_672 = arith.constant 2 : i32
        %get3A_673 = arith.index_cast %get3A_672 : i32 to index
        %get3A_674 = arith.index_cast %add3A_650 : i32 to index
        %get3A_675 = arith.constant 48 : index
        %get3A_676 = tpu.vector_load %arg6[%get3A_673, %get3A_674, %get3A_675] {strides = array<i32>} : memref<4x200x64xf32, #tpu.memory_space<vmem>>, vector<1x1x16xf32>,
        %get3A_677 = vector.shape_cast %get3A_676 : vector<1x1x16xf32> to vector<16xf32>
        %add3A_678 = arith.addf %add3A_614, %get3A_677 : vector<16xf32>
        %mul3A_679 = arith.constant 8 : i32
        %mul3A_680 = arith.muli %scan3A_447, %mul3A_679 : i32
        %add3A_681 = arith.constant 7 : i32
        %add3A_682 = arith.addi %mul3A_680, %add3A_681 : i32
        %get3A_683 = arith.constant 2 : i32
        %get3A_684 = arith.index_cast %get3A_683 : i32 to index
        %get3A_685 = arith.index_cast %add3A_682 : i32 to index
        %get3A_686 = arith.constant 0 : index
        %get3A_687 = tpu.vector_load %arg6[%get3A_684, %get3A_685, %get3A_686] {strides = array<i32>} : memref<4x200x64xf32, #tpu.memory_space<vmem>>, vector<1x1x16xf32>,
        %get3A_688 = vector.shape_cast %get3A_687 : vector<1x1x16xf32> to vector<16xf32>
        %add3A_689 = arith.addf %add3A_625, %get3A_688 : vector<16xf32>
        %get3A_690 = arith.constant 2 : i32
        %get3A_691 = arith.index_cast %get3A_690 : i32 to index
        %get3A_692 = arith.index_cast %add3A_682 : i32 to index
        %get3A_693 = arith.constant 16 : index
        %get3A_694 = tpu.vector_load %arg6[%get3A_691, %get3A_692, %get3A_693] {strides = array<i32>} : memref<4x200x64xf32, #tpu.memory_space<vmem>>, vector<1x1x16xf32>,
        %get3A_695 = vector.shape_cast %get3A_694 : vector<1x1x16xf32> to vector<16xf32>
        %add3A_696 = arith.addf %add3A_632, %get3A_695 : vector<16xf32>
        %get3A_697 = arith.constant 2 : i32
        %get3A_698 = arith.index_cast %get3A_697 : i32 to index
        %get3A_699 = arith.index_cast %add3A_682 : i32 to index
        %get3A_700 = arith.constant 32 : index
        %get3A_701 = tpu.vector_load %arg6[%get3A_698, %get3A_699, %get3A_700] {strides = array<i32>} : memref<4x200x64xf32, #tpu.memory_space<vmem>>, vector<1x1x16xf32>,
        %get3A_702 = vector.shape_cast %get3A_701 : vector<1x1x16xf32> to vector<16xf32>
        %add3A_703 = arith.addf %add3A_639, %get3A_702 : vector<16xf32>
        %get3A_704 = arith.constant 2 : i32
        %get3A_705 = arith.index_cast %get3A_704 : i32 to index
        %get3A_706 = arith.index_cast %add3A_682 : i32 to index
        %get3A_707 = arith.constant 48 : index
        %get3A_708 = tpu.vector_load %arg6[%get3A_705, %get3A_706, %get3A_707] {strides = array<i32>} : memref<4x200x64xf32, #tpu.memory_space<vmem>>, vector<1x1x16xf32>,
        %get3A_709 = vector.shape_cast %get3A_708 : vector<1x1x16xf32> to vector<16xf32>
        %add3A_710 = arith.addf %add3A_646, %get3A_709 : vector<16xf32>
        scf.yield %add3A_657, %add3A_689, %add3A_664, %add3A_696, %add3A_671, %add3A_703, %add3A_678, %add3A_710 : vector<16xf32>, vector<16xf32>, vector<16xf32>, vector<16xf32>, vector<16xf32>, vector<16xf32>, vector<16xf32>, vector<16xf32>
      }
      %scan3A_326 = arith.constant 25 : i32
      %add3A_327 = arith.addf %scan3A_325#0, %scan3A_325#1 : vector<16xf32>
      %mul3A_328 = vector.broadcast %scan3A_122 : f32 to vector<16xf32>
      %mul3A_329 = arith.mulf %add3A_327, %mul3A_328 : vector<16xf32>
      %swap3A_330 = arith.index_cast %add3A_288 : i32 to index
      %swap3A_331 = arith.constant 0 : index
      %swap3A_332 = tpu.vector_load %arg7[%swap3A_330, %swap3A_331] {strides = array<i32>} : memref<128x64xf32, #tpu.memory_space<vmem>>, vector<1x16xf32>,
      %swap3A_333 = vector.shape_cast %swap3A_332 : vector<1x16xf32> to vector<16xf32>
      %swap3A_334 = vector.shape_cast %mul3A_329 : vector<16xf32> to vector<1x16xf32>
      tpu.vector_store %arg7[%swap3A_330, %swap3A_331], %swap3A_334 {strides = array<i32>} : memref<128x64xf32, #tpu.memory_space<vmem>>, vector<1x16xf32>,
      %add3A_335 = arith.addf %scan3A_325#2, %scan3A_325#3 : vector<16xf32>
      %mul3A_336 = vector.broadcast %scan3A_122 : f32 to vector<16xf32>
      %mul3A_337 = arith.mulf %add3A_335, %mul3A_336 : vector<16xf32>
      %swap3A_338 = arith.index_cast %add3A_288 : i32 to index
      %swap3A_339 = arith.constant 16 : index
      %swap3A_340 = tpu.vector_load %arg7[%swap3A_338, %swap3A_339] {strides = array<i32>} : memref<128x64xf32, #tpu.memory_space<vmem>>, vector<1x16xf32>,
      %swap3A_341 = vector.shape_cast %swap3A_340 : vector<1x16xf32> to vector<16xf32>
      %swap3A_342 = vector.shape_cast %mul3A_337 : vector<16xf32> to vector<1x16xf32>
      tpu.vector_store %arg7[%swap3A_338, %swap3A_339], %swap3A_342 {strides = array<i32>} : memref<128x64xf32, #tpu.memory_space<vmem>>, vector<1x16xf32>,
      %add3A_343 = arith.addf %scan3A_325#4, %scan3A_325#5 : vector<16xf32>
      %mul3A_344 = vector.broadcast %scan3A_122 : f32 to vector<16xf32>
      %mul3A_345 = arith.mulf %add3A_343, %mul3A_344 : vector<16xf32>
      %swap3A_346 = arith.index_cast %add3A_288 : i32 to index
      %swap3A_347 = arith.constant 32 : index
      %swap3A_348 = tpu.vector_load %arg7[%swap3A_346, %swap3A_347] {strides = array<i32>} : memref<128x64xf32, #tpu.memory_space<vmem>>, vector<1x16xf32>,
      %swap3A_349 = vector.shape_cast %swap3A_348 : vector<1x16xf32> to vector<16xf32>
      %swap3A_350 = vector.shape_cast %mul3A_345 : vector<16xf32> to vector<1x16xf32>
      tpu.vector_store %arg7[%swap3A_346, %swap3A_347], %swap3A_350 {strides = array<i32>} : memref<128x64xf32, #tpu.memory_space<vmem>>, vector<1x16xf32>,
      %add3A_351 = arith.addf %scan3A_325#6, %scan3A_325#7 : vector<16xf32>
      %mul3A_352 = vector.broadcast %scan3A_122 : f32 to vector<16xf32>
      %mul3A_353 = arith.mulf %add3A_351, %mul3A_352 : vector<16xf32>
      %swap3A_354 = arith.index_cast %add3A_288 : i32 to index
      %swap3A_355 = arith.constant 48 : index
      %swap3A_356 = tpu.vector_load %arg7[%swap3A_354, %swap3A_355] {strides = array<i32>} : memref<128x64xf32, #tpu.memory_space<vmem>>, vector<1x16xf32>,
      %swap3A_357 = vector.shape_cast %swap3A_356 : vector<1x16xf32> to vector<16xf32>
      %swap3A_358 = vector.shape_cast %mul3A_353 : vector<16xf32> to vector<1x16xf32>
      tpu.vector_store %arg7[%swap3A_354, %swap3A_355], %swap3A_358 {strides = array<i32>} : memref<128x64xf32, #tpu.memory_space<vmem>>, vector<1x16xf32>,
      %add3A_359 = arith.constant 4 : i32
      %add3A_360 = arith.addi %add3A_288, %add3A_359 : i32
      %lt3A_361 = arith.constant 128 : i32
      %lt3A_362 = arith.cmpi slt, %add3A_360, %lt3A_361 : i32
      %convert_element_type3A_363 = arith.extui %lt3A_362 : i1 to i32
      %cond3A_364 = arith.constant 0 : i32
      %cond3A_365 = arith.cmpi ne, %convert_element_type3A_363, %cond3A_364 : i32
      scf.if %cond3A_365 {
        %add3A_447 = arith.constant 4 : i32
        %add3A_448 = arith.addi %add3A_288, %add3A_447 : i32
        %dma_start3A_449 = arith.constant 2 : i32
        %dma_start3A_450 = arith.constant 2 : i32
        %dma_start3A_451 = arith.constant 0 : i32
        %dma_start3A_452 = arith.constant 0 : i32
        %dma_start3A_453 = tpu.memref_slice %arg6[%dma_start3A_449, %dma_start3A_451, %dma_start3A_452] : memref<4x200x64xf32, #tpu.memory_space<vmem>> -> memref<1x128x64xf32, #tpu.memory_space<vmem>>
        %dma_start3A_454 = tpu.memref_squeeze %dma_start3A_453 : memref<1x128x64xf32, #tpu.memory_space<vmem>> -> memref<128x64xf32, #tpu.memory_space<vmem>>
        %dma_start3A_455 = arith.constant 0 : i32
        %dma_start3A_456 = tpu.memref_slice %arg5[%add3A_448, %dma_start3A_455] : memref<128x200xi32, #tpu.memory_space<vmem>> -> memref<1x128xi32, #tpu.memory_space<vmem>>
        %dma_start3A_457 = tpu.memref_squeeze %dma_start3A_456 : memref<1x128xi32, #tpu.memory_space<vmem>> -> memref<128xi32, #tpu.memory_space<vmem>>
        %dma_start3A_458 = arith.constant 0 : i32
        %dma_start3A_459 = arith.constant 0 : i32
        %dma_start3A_460 = tpu.memref_slice %arg3[%dma_start3A_458, %dma_start3A_459] : memref<1007616x64xf32, #tpu.memory_space<hbm>> -> memref<1007616x64xf32, #tpu.memory_space<hbm>>
        %dma_start3A_461 = tpu.memref_slice %arg8[%dma_start3A_450] : memref<4x!tpu.dma_semaphore, #tpu.memory_space<semaphore_mem>> -> memref<1x!tpu.dma_semaphore, #tpu.memory_space<semaphore_mem>>
        %dma_start3A_462 = tpu.memref_squeeze %dma_start3A_461 : memref<1x!tpu.dma_semaphore, #tpu.memory_space<semaphore_mem>> -> memref<!tpu.dma_semaphore, #tpu.memory_space<semaphore_mem>>
        tpu.enqueue_indirect_dma source(%dma_start3A_460 : memref<1007616x64xf32, #tpu.memory_space<hbm>>) target(%dma_start3A_454 : memref<128x64xf32, #tpu.memory_space<vmem>>) offsets(%dma_start3A_457 : memref<128xi32, #tpu.memory_space<vmem>>) semaphore(%dma_start3A_462 : memref<!tpu.dma_semaphore, #tpu.memory_space<semaphore_mem>>)
        %dma_start3A_463 = arith.constant 2 : i32
        %dma_start3A_464 = arith.constant 2 : i32
        %dma_start3A_465 = arith.constant 128 : i32
        %dma_start3A_466 = arith.constant 0 : i32
        %dma_start3A_467 = tpu.memref_slice %arg6[%dma_start3A_463, %dma_start3A_465, %dma_start3A_466] : memref<4x200x64xf32, #tpu.memory_space<vmem>> -> memref<1x72x64xf32, #tpu.memory_space<vmem>>
        %dma_start3A_468 = tpu.memref_squeeze %dma_start3A_467 : memref<1x72x64xf32, #tpu.memory_space<vmem>> -> memref<72x64xf32, #tpu.memory_space<vmem>>
        %dma_start3A_469 = arith.constant 128 : i32
        %dma_start3A_470 = tpu.memref_slice %arg5[%add3A_448, %dma_start3A_469] : memref<128x200xi32, #tpu.memory_space<vmem>> -> memref<1x72xi32, #tpu.memory_space<vmem>>
        %dma_start3A_471 = tpu.memref_squeeze %dma_start3A_470 : memref<1x72xi32, #tpu.memory_space<vmem>> -> memref<72xi32, #tpu.memory_space<vmem>>
        %dma_start3A_472 = arith.constant 0 : i32
        %dma_start3A_473 = arith.constant 0 : i32
        %dma_start3A_474 = tpu.memref_slice %arg3[%dma_start3A_472, %dma_start3A_473] : memref<1007616x64xf32, #tpu.memory_space<hbm>> -> memref<1007616x64xf32, #tpu.memory_space<hbm>>
        %dma_start3A_475 = tpu.memref_slice %arg8[%dma_start3A_464] : memref<4x!tpu.dma_semaphore, #tpu.memory_space<semaphore_mem>> -> memref<1x!tpu.dma_semaphore, #tpu.memory_space<semaphore_mem>>
        %dma_start3A_476 = tpu.memref_squeeze %dma_start3A_475 : memref<1x!tpu.dma_semaphore, #tpu.memory_space<semaphore_mem>> -> memref<!tpu.dma_semaphore, #tpu.memory_space<semaphore_mem>>
        tpu.enqueue_indirect_dma source(%dma_start3A_474 : memref<1007616x64xf32, #tpu.memory_space<hbm>>) target(%dma_start3A_468 : memref<72x64xf32, #tpu.memory_space<vmem>>) offsets(%dma_start3A_471 : memref<72xi32, #tpu.memory_space<vmem>>) semaphore(%dma_start3A_476 : memref<!tpu.dma_semaphore, #tpu.memory_space<semaphore_mem>>)
      } else {
      }
      %mul3A_366 = arith.constant 4 : i32
      %mul3A_367 = arith.muli %scan3A_128, %mul3A_366 : i32
      %add3A_368 = arith.constant 3 : i32
      %add3A_369 = arith.addi %mul3A_367, %add3A_368 : i32
      %dma_wait3A_370 = arith.constant 0 : i32
      %dma_wait3A_371 = arith.constant 3 : i32
      %dma_wait3A_372 = arith.constant 3 : i32
      %dma_wait3A_373 = arith.constant 0 : i32
      %dma_wait3A_374 = arith.constant 0 : i32
      %dma_wait3A_375 = tpu.memref_slice %arg6[%dma_wait3A_371, %dma_wait3A_373, %dma_wait3A_374] : memref<4x200x64xf32, #tpu.memory_space<vmem>> -> memref<1x128x64xf32, #tpu.memory_space<vmem>>
      %dma_wait3A_376 = tpu.memref_squeeze %dma_wait3A_375 : memref<1x128x64xf32, #tpu.memory_space<vmem>> -> memref<128x64xf32, #tpu.memory_space<vmem>>
      %dma_wait3A_377 = arith.constant 0 : i32
      %dma_wait3A_378 = tpu.memref_slice %arg5[%dma_wait3A_370, %dma_wait3A_377] : memref<128x200xi32, #tpu.memory_space<vmem>> -> memref<1x128xi32, #tpu.memory_space<vmem>>
      %dma_wait3A_379 = tpu.memref_squeeze %dma_wait3A_378 : memref<1x128xi32, #tpu.memory_space<vmem>> -> memref<128xi32, #tpu.memory_space<vmem>>
      %dma_wait3A_380 = arith.constant 0 : i32
      %dma_wait3A_381 = arith.constant 0 : i32
      %dma_wait3A_382 = tpu.memref_slice %arg3[%dma_wait3A_380, %dma_wait3A_381] : memref<1007616x64xf32, #tpu.memory_space<hbm>> -> memref<1007616x64xf32, #tpu.memory_space<hbm>>
      %dma_wait3A_383 = tpu.memref_slice %arg8[%dma_wait3A_372] : memref<4x!tpu.dma_semaphore, #tpu.memory_space<semaphore_mem>> -> memref<1x!tpu.dma_semaphore, #tpu.memory_space<semaphore_mem>>
      %dma_wait3A_384 = tpu.memref_squeeze %dma_wait3A_383 : memref<1x!tpu.dma_semaphore, #tpu.memory_space<semaphore_mem>> -> memref<!tpu.dma_semaphore, #tpu.memory_space<semaphore_mem>>
      tpu.wait_indirect_dma semaphore(%dma_wait3A_384 : memref<!tpu.dma_semaphore, #tpu.memory_space<semaphore_mem>>) src(%dma_wait3A_382 : memref<1007616x64xf32, #tpu.memory_space<hbm>>) dst(%dma_wait3A_376 : memref<128x64xf32, #tpu.memory_space<vmem>>)
      %dma_wait3A_385 = arith.constant 0 : i32
      %dma_wait3A_386 = arith.constant 3 : i32
      %dma_wait3A_387 = arith.constant 3 : i32
      %dma_wait3A_388 = arith.constant 128 : i32
      %dma_wait3A_389 = arith.constant 0 : i32
      %dma_wait3A_390 = tpu.memref_slice %arg6[%dma_wait3A_386, %dma_wait3A_388, %dma_wait3A_389] : memref<4x200x64xf32, #tpu.memory_space<vmem>> -> memref<1x72x64xf32, #tpu.memory_space<vmem>>
      %dma_wait3A_391 = tpu.memref_squeeze %dma_wait3A_390 : memref<1x72x64xf32, #tpu.memory_space<vmem>> -> memref<72x64xf32, #tpu.memory_space<vmem>>
      %dma_wait3A_392 = arith.constant 128 : i32
      %dma_wait3A_393 = tpu.memref_slice %arg5[%dma_wait3A_385, %dma_wait3A_392] : memref<128x200xi32, #tpu.memory_space<vmem>> -> memref<1x72xi32, #tpu.memory_space<vmem>>
      %dma_wait3A_394 = tpu.memref_squeeze %dma_wait3A_393 : memref<1x72xi32, #tpu.memory_space<vmem>> -> memref<72xi32, #tpu.memory_space<vmem>>
      %dma_wait3A_395 = arith.constant 0 : i32
      %dma_wait3A_396 = arith.constant 0 : i32
      %dma_wait3A_397 = tpu.memref_slice %arg3[%dma_wait3A_395, %dma_wait3A_396] : memref<1007616x64xf32, #tpu.memory_space<hbm>> -> memref<1007616x64xf32, #tpu.memory_space<hbm>>
      %dma_wait3A_398 = tpu.memref_slice %arg8[%dma_wait3A_387] : memref<4x!tpu.dma_semaphore, #tpu.memory_space<semaphore_mem>> -> memref<1x!tpu.dma_semaphore, #tpu.memory_space<semaphore_mem>>
      %dma_wait3A_399 = tpu.memref_squeeze %dma_wait3A_398 : memref<1x!tpu.dma_semaphore, #tpu.memory_space<semaphore_mem>> -> memref<!tpu.dma_semaphore, #tpu.memory_space<semaphore_mem>>
      tpu.wait_indirect_dma semaphore(%dma_wait3A_399 : memref<!tpu.dma_semaphore, #tpu.memory_space<semaphore_mem>>) src(%dma_wait3A_397 : memref<1007616x64xf32, #tpu.memory_space<hbm>>) dst(%dma_wait3A_391 : memref<72x64xf32, #tpu.memory_space<vmem>>)
      %broadcast_in_dim3A_400 = arith.constant 0.000000e+00 : f32
      %broadcast_in_dim3A_401 = vector.broadcast %broadcast_in_dim3A_400 : f32 to vector<16xf32>
      %scan3A_402 = arith.constant 0 : i32
      %scan3A_403 = arith.constant 25 : i32
      %scan3A_404 = arith.addi %scan3A_402, %scan3A_403 : i32
      %scan3A_405 = arith.constant 1 : i32
      %scan3A_406:8 = scf.for %scan3A_447 = %scan3A_402 to %scan3A_404 step %scan3A_405 iter_args(%scan3A_448 = %broadcast_in_dim3A_401, %scan3A_449 = %broadcast_in_dim3A_401, %scan3A_450 = %broadcast_in_dim3A_401, %scan3A_451 = %broadcast_in_dim3A_401, %scan3A_452 = %broadcast_in_dim3A_401, %scan3A_453 = %broadcast_in_dim3A_401, %scan3A_454 = %broadcast_in_dim3A_401, %scan3A_455 = %broadcast_in_dim3A_401) -> (vector<16xf32>, vector<16xf32>, vector<16xf32>, vector<16xf32>, vector<16xf32>, vector<16xf32>, vector<16xf32>, vector<16xf32>)  : i32 {
        %mul3A_456 = arith.constant 8 : i32
        %mul3A_457 = arith.muli %scan3A_447, %mul3A_456 : i32
        %add3A_458 = arith.constant 0 : i32
        %add3A_459 = arith.addi %mul3A_457, %add3A_458 : i32
        %get3A = arith.constant 3 : i32
        %get3A_460 = arith.index_cast %get3A : i32 to index
        %get3A_461 = arith.index_cast %add3A_459 : i32 to index
        %get3A_462 = arith.constant 0 : index
        %get3A_463 = tpu.vector_load %arg6[%get3A_460, %get3A_461, %get3A_462] {strides = array<i32>} : memref<4x200x64xf32, #tpu.memory_space<vmem>>, vector<1x1x16xf32>,
        %get3A_464 = vector.shape_cast %get3A_463 : vector<1x1x16xf32> to vector<16xf32>
        %add3A_465 = arith.addf %scan3A_448, %get3A_464 : vector<16xf32>
        %get3A_466 = arith.constant 3 : i32
        %get3A_467 = arith.index_cast %get3A_466 : i32 to index
        %get3A_468 = arith.index_cast %add3A_459 : i32 to index
        %get3A_469 = arith.constant 16 : index
        %get3A_470 = tpu.vector_load %arg6[%get3A_467, %get3A_468, %get3A_469] {strides = array<i32>} : memref<4x200x64xf32, #tpu.memory_space<vmem>>, vector<1x1x16xf32>,
        %get3A_471 = vector.shape_cast %get3A_470 : vector<1x1x16xf32> to vector<16xf32>
        %add3A_472 = arith.addf %scan3A_450, %get3A_471 : vector<16xf32>
        %get3A_473 = arith.constant 3 : i32
        %get3A_474 = arith.index_cast %get3A_473 : i32 to index
        %get3A_475 = arith.index_cast %add3A_459 : i32 to index
        %get3A_476 = arith.constant 32 : index
        %get3A_477 = tpu.vector_load %arg6[%get3A_474, %get3A_475, %get3A_476] {strides = array<i32>} : memref<4x200x64xf32, #tpu.memory_space<vmem>>, vector<1x1x16xf32>,
        %get3A_478 = vector.shape_cast %get3A_477 : vector<1x1x16xf32> to vector<16xf32>
        %add3A_479 = arith.addf %scan3A_452, %get3A_478 : vector<16xf32>
        %get3A_480 = arith.constant 3 : i32
        %get3A_481 = arith.index_cast %get3A_480 : i32 to index
        %get3A_482 = arith.index_cast %add3A_459 : i32 to index
        %get3A_483 = arith.constant 48 : index
        %get3A_484 = tpu.vector_load %arg6[%get3A_481, %get3A_482, %get3A_483] {strides = array<i32>} : memref<4x200x64xf32, #tpu.memory_space<vmem>>, vector<1x1x16xf32>,
        %get3A_485 = vector.shape_cast %get3A_484 : vector<1x1x16xf32> to vector<16xf32>
        %add3A_486 = arith.addf %scan3A_454, %get3A_485 : vector<16xf32>
        %mul3A_487 = arith.constant 8 : i32
        %mul3A_488 = arith.muli %scan3A_447, %mul3A_487 : i32
        %add3A_489 = arith.constant 1 : i32
        %add3A_490 = arith.addi %mul3A_488, %add3A_489 : i32
        %get3A_491 = arith.constant 3 : i32
        %get3A_492 = arith.index_cast %get3A_491 : i32 to index
        %get3A_493 = arith.index_cast %add3A_490 : i32 to index
        %get3A_494 = arith.constant 0 : index
        %get3A_495 = tpu.vector_load %arg6[%get3A_492, %get3A_493, %get3A_494] {strides = array<i32>} : memref<4x200x64xf32, #tpu.memory_space<vmem>>, vector<1x1x16xf32>,
        %get3A_496 = vector.shape_cast %get3A_495 : vector<1x1x16xf32> to vector<16xf32>
        %add3A_497 = arith.addf %scan3A_449, %get3A_496 : vector<16xf32>
        %get3A_498 = arith.constant 3 : i32
        %get3A_499 = arith.index_cast %get3A_498 : i32 to index
        %get3A_500 = arith.index_cast %add3A_490 : i32 to index
        %get3A_501 = arith.constant 16 : index
        %get3A_502 = tpu.vector_load %arg6[%get3A_499, %get3A_500, %get3A_501] {strides = array<i32>} : memref<4x200x64xf32, #tpu.memory_space<vmem>>, vector<1x1x16xf32>,
        %get3A_503 = vector.shape_cast %get3A_502 : vector<1x1x16xf32> to vector<16xf32>
        %add3A_504 = arith.addf %scan3A_451, %get3A_503 : vector<16xf32>
        %get3A_505 = arith.constant 3 : i32
        %get3A_506 = arith.index_cast %get3A_505 : i32 to index
        %get3A_507 = arith.index_cast %add3A_490 : i32 to index
        %get3A_508 = arith.constant 32 : index
        %get3A_509 = tpu.vector_load %arg6[%get3A_506, %get3A_507, %get3A_508] {strides = array<i32>} : memref<4x200x64xf32, #tpu.memory_space<vmem>>, vector<1x1x16xf32>,
        %get3A_510 = vector.shape_cast %get3A_509 : vector<1x1x16xf32> to vector<16xf32>
        %add3A_511 = arith.addf %scan3A_453, %get3A_510 : vector<16xf32>
        %get3A_512 = arith.constant 3 : i32
        %get3A_513 = arith.index_cast %get3A_512 : i32 to index
        %get3A_514 = arith.index_cast %add3A_490 : i32 to index
        %get3A_515 = arith.constant 48 : index
        %get3A_516 = tpu.vector_load %arg6[%get3A_513, %get3A_514, %get3A_515] {strides = array<i32>} : memref<4x200x64xf32, #tpu.memory_space<vmem>>, vector<1x1x16xf32>,
        %get3A_517 = vector.shape_cast %get3A_516 : vector<1x1x16xf32> to vector<16xf32>
        %add3A_518 = arith.addf %scan3A_455, %get3A_517 : vector<16xf32>
        %mul3A_519 = arith.constant 8 : i32
        %mul3A_520 = arith.muli %scan3A_447, %mul3A_519 : i32
        %add3A_521 = arith.constant 2 : i32
        %add3A_522 = arith.addi %mul3A_520, %add3A_521 : i32
        %get3A_523 = arith.constant 3 : i32
        %get3A_524 = arith.index_cast %get3A_523 : i32 to index
        %get3A_525 = arith.index_cast %add3A_522 : i32 to index
        %get3A_526 = arith.constant 0 : index
        %get3A_527 = tpu.vector_load %arg6[%get3A_524, %get3A_525, %get3A_526] {strides = array<i32>} : memref<4x200x64xf32, #tpu.memory_space<vmem>>, vector<1x1x16xf32>,
        %get3A_528 = vector.shape_cast %get3A_527 : vector<1x1x16xf32> to vector<16xf32>
        %add3A_529 = arith.addf %add3A_465, %get3A_528 : vector<16xf32>
        %get3A_530 = arith.constant 3 : i32
        %get3A_531 = arith.index_cast %get3A_530 : i32 to index
        %get3A_532 = arith.index_cast %add3A_522 : i32 to index
        %get3A_533 = arith.constant 16 : index
        %get3A_534 = tpu.vector_load %arg6[%get3A_531, %get3A_532, %get3A_533] {strides = array<i32>} : memref<4x200x64xf32, #tpu.memory_space<vmem>>, vector<1x1x16xf32>,
        %get3A_535 = vector.shape_cast %get3A_534 : vector<1x1x16xf32> to vector<16xf32>
        %add3A_536 = arith.addf %add3A_472, %get3A_535 : vector<16xf32>
        %get3A_537 = arith.constant 3 : i32
        %get3A_538 = arith.index_cast %get3A_537 : i32 to index
        %get3A_539 = arith.index_cast %add3A_522 : i32 to index
        %get3A_540 = arith.constant 32 : index
        %get3A_541 = tpu.vector_load %arg6[%get3A_538, %get3A_539, %get3A_540] {strides = array<i32>} : memref<4x200x64xf32, #tpu.memory_space<vmem>>, vector<1x1x16xf32>,
        %get3A_542 = vector.shape_cast %get3A_541 : vector<1x1x16xf32> to vector<16xf32>
        %add3A_543 = arith.addf %add3A_479, %get3A_542 : vector<16xf32>
        %get3A_544 = arith.constant 3 : i32
        %get3A_545 = arith.index_cast %get3A_544 : i32 to index
        %get3A_546 = arith.index_cast %add3A_522 : i32 to index
        %get3A_547 = arith.constant 48 : index
        %get3A_548 = tpu.vector_load %arg6[%get3A_545, %get3A_546, %get3A_547] {strides = array<i32>} : memref<4x200x64xf32, #tpu.memory_space<vmem>>, vector<1x1x16xf32>,
        %get3A_549 = vector.shape_cast %get3A_548 : vector<1x1x16xf32> to vector<16xf32>
        %add3A_550 = arith.addf %add3A_486, %get3A_549 : vector<16xf32>
        %mul3A_551 = arith.constant 8 : i32
        %mul3A_552 = arith.muli %scan3A_447, %mul3A_551 : i32
        %add3A_553 = arith.constant 3 : i32
        %add3A_554 = arith.addi %mul3A_552, %add3A_553 : i32
        %get3A_555 = arith.constant 3 : i32
        %get3A_556 = arith.index_cast %get3A_555 : i32 to index
        %get3A_557 = arith.index_cast %add3A_554 : i32 to index
        %get3A_558 = arith.constant 0 : index
        %get3A_559 = tpu.vector_load %arg6[%get3A_556, %get3A_557, %get3A_558] {strides = array<i32>} : memref<4x200x64xf32, #tpu.memory_space<vmem>>, vector<1x1x16xf32>,
        %get3A_560 = vector.shape_cast %get3A_559 : vector<1x1x16xf32> to vector<16xf32>
        %add3A_561 = arith.addf %add3A_497, %get3A_560 : vector<16xf32>
        %get3A_562 = arith.constant 3 : i32
        %get3A_563 = arith.index_cast %get3A_562 : i32 to index
        %get3A_564 = arith.index_cast %add3A_554 : i32 to index
        %get3A_565 = arith.constant 16 : index
        %get3A_566 = tpu.vector_load %arg6[%get3A_563, %get3A_564, %get3A_565] {strides = array<i32>} : memref<4x200x64xf32, #tpu.memory_space<vmem>>, vector<1x1x16xf32>,
        %get3A_567 = vector.shape_cast %get3A_566 : vector<1x1x16xf32> to vector<16xf32>
        %add3A_568 = arith.addf %add3A_504, %get3A_567 : vector<16xf32>
        %get3A_569 = arith.constant 3 : i32
        %get3A_570 = arith.index_cast %get3A_569 : i32 to index
        %get3A_571 = arith.index_cast %add3A_554 : i32 to index
        %get3A_572 = arith.constant 32 : index
        %get3A_573 = tpu.vector_load %arg6[%get3A_570, %get3A_571, %get3A_572] {strides = array<i32>} : memref<4x200x64xf32, #tpu.memory_space<vmem>>, vector<1x1x16xf32>,
        %get3A_574 = vector.shape_cast %get3A_573 : vector<1x1x16xf32> to vector<16xf32>
        %add3A_575 = arith.addf %add3A_511, %get3A_574 : vector<16xf32>
        %get3A_576 = arith.constant 3 : i32
        %get3A_577 = arith.index_cast %get3A_576 : i32 to index
        %get3A_578 = arith.index_cast %add3A_554 : i32 to index
        %get3A_579 = arith.constant 48 : index
        %get3A_580 = tpu.vector_load %arg6[%get3A_577, %get3A_578, %get3A_579] {strides = array<i32>} : memref<4x200x64xf32, #tpu.memory_space<vmem>>, vector<1x1x16xf32>,
        %get3A_581 = vector.shape_cast %get3A_580 : vector<1x1x16xf32> to vector<16xf32>
        %add3A_582 = arith.addf %add3A_518, %get3A_581 : vector<16xf32>
        %mul3A_583 = arith.constant 8 : i32
        %mul3A_584 = arith.muli %scan3A_447, %mul3A_583 : i32
        %add3A_585 = arith.constant 4 : i32
        %add3A_586 = arith.addi %mul3A_584, %add3A_585 : i32
        %get3A_587 = arith.constant 3 : i32
        %get3A_588 = arith.index_cast %get3A_587 : i32 to index
        %get3A_589 = arith.index_cast %add3A_586 : i32 to index
        %get3A_590 = arith.constant 0 : index
        %get3A_591 = tpu.vector_load %arg6[%get3A_588, %get3A_589, %get3A_590] {strides = array<i32>} : memref<4x200x64xf32, #tpu.memory_space<vmem>>, vector<1x1x16xf32>,
        %get3A_592 = vector.shape_cast %get3A_591 : vector<1x1x16xf32> to vector<16xf32>
        %add3A_593 = arith.addf %add3A_529, %get3A_592 : vector<16xf32>
        %get3A_594 = arith.constant 3 : i32
        %get3A_595 = arith.index_cast %get3A_594 : i32 to index
        %get3A_596 = arith.index_cast %add3A_586 : i32 to index
        %get3A_597 = arith.constant 16 : index
        %get3A_598 = tpu.vector_load %arg6[%get3A_595, %get3A_596, %get3A_597] {strides = array<i32>} : memref<4x200x64xf32, #tpu.memory_space<vmem>>, vector<1x1x16xf32>,
        %get3A_599 = vector.shape_cast %get3A_598 : vector<1x1x16xf32> to vector<16xf32>
        %add3A_600 = arith.addf %add3A_536, %get3A_599 : vector<16xf32>
        %get3A_601 = arith.constant 3 : i32
        %get3A_602 = arith.index_cast %get3A_601 : i32 to index
        %get3A_603 = arith.index_cast %add3A_586 : i32 to index
        %get3A_604 = arith.constant 32 : index
        %get3A_605 = tpu.vector_load %arg6[%get3A_602, %get3A_603, %get3A_604] {strides = array<i32>} : memref<4x200x64xf32, #tpu.memory_space<vmem>>, vector<1x1x16xf32>,
        %get3A_606 = vector.shape_cast %get3A_605 : vector<1x1x16xf32> to vector<16xf32>
        %add3A_607 = arith.addf %add3A_543, %get3A_606 : vector<16xf32>
        %get3A_608 = arith.constant 3 : i32
        %get3A_609 = arith.index_cast %get3A_608 : i32 to index
        %get3A_610 = arith.index_cast %add3A_586 : i32 to index
        %get3A_611 = arith.constant 48 : index
        %get3A_612 = tpu.vector_load %arg6[%get3A_609, %get3A_610, %get3A_611] {strides = array<i32>} : memref<4x200x64xf32, #tpu.memory_space<vmem>>, vector<1x1x16xf32>,
        %get3A_613 = vector.shape_cast %get3A_612 : vector<1x1x16xf32> to vector<16xf32>
        %add3A_614 = arith.addf %add3A_550, %get3A_613 : vector<16xf32>
        %mul3A_615 = arith.constant 8 : i32
        %mul3A_616 = arith.muli %scan3A_447, %mul3A_615 : i32
        %add3A_617 = arith.constant 5 : i32
        %add3A_618 = arith.addi %mul3A_616, %add3A_617 : i32
        %get3A_619 = arith.constant 3 : i32
        %get3A_620 = arith.index_cast %get3A_619 : i32 to index
        %get3A_621 = arith.index_cast %add3A_618 : i32 to index
        %get3A_622 = arith.constant 0 : index
        %get3A_623 = tpu.vector_load %arg6[%get3A_620, %get3A_621, %get3A_622] {strides = array<i32>} : memref<4x200x64xf32, #tpu.memory_space<vmem>>, vector<1x1x16xf32>,
        %get3A_624 = vector.shape_cast %get3A_623 : vector<1x1x16xf32> to vector<16xf32>
        %add3A_625 = arith.addf %add3A_561, %get3A_624 : vector<16xf32>
        %get3A_626 = arith.constant 3 : i32
        %get3A_627 = arith.index_cast %get3A_626 : i32 to index
        %get3A_628 = arith.index_cast %add3A_618 : i32 to index
        %get3A_629 = arith.constant 16 : index
        %get3A_630 = tpu.vector_load %arg6[%get3A_627, %get3A_628, %get3A_629] {strides = array<i32>} : memref<4x200x64xf32, #tpu.memory_space<vmem>>, vector<1x1x16xf32>,
        %get3A_631 = vector.shape_cast %get3A_630 : vector<1x1x16xf32> to vector<16xf32>
        %add3A_632 = arith.addf %add3A_568, %get3A_631 : vector<16xf32>
        %get3A_633 = arith.constant 3 : i32
        %get3A_634 = arith.index_cast %get3A_633 : i32 to index
        %get3A_635 = arith.index_cast %add3A_618 : i32 to index
        %get3A_636 = arith.constant 32 : index
        %get3A_637 = tpu.vector_load %arg6[%get3A_634, %get3A_635, %get3A_636] {strides = array<i32>} : memref<4x200x64xf32, #tpu.memory_space<vmem>>, vector<1x1x16xf32>,
        %get3A_638 = vector.shape_cast %get3A_637 : vector<1x1x16xf32> to vector<16xf32>
        %add3A_639 = arith.addf %add3A_575, %get3A_638 : vector<16xf32>
        %get3A_640 = arith.constant 3 : i32
        %get3A_641 = arith.index_cast %get3A_640 : i32 to index
        %get3A_642 = arith.index_cast %add3A_618 : i32 to index
        %get3A_643 = arith.constant 48 : index
        %get3A_644 = tpu.vector_load %arg6[%get3A_641, %get3A_642, %get3A_643] {strides = array<i32>} : memref<4x200x64xf32, #tpu.memory_space<vmem>>, vector<1x1x16xf32>,
        %get3A_645 = vector.shape_cast %get3A_644 : vector<1x1x16xf32> to vector<16xf32>
        %add3A_646 = arith.addf %add3A_582, %get3A_645 : vector<16xf32>
        %mul3A_647 = arith.constant 8 : i32
        %mul3A_648 = arith.muli %scan3A_447, %mul3A_647 : i32
        %add3A_649 = arith.constant 6 : i32
        %add3A_650 = arith.addi %mul3A_648, %add3A_649 : i32
        %get3A_651 = arith.constant 3 : i32
        %get3A_652 = arith.index_cast %get3A_651 : i32 to index
        %get3A_653 = arith.index_cast %add3A_650 : i32 to index
        %get3A_654 = arith.constant 0 : index
        %get3A_655 = tpu.vector_load %arg6[%get3A_652, %get3A_653, %get3A_654] {strides = array<i32>} : memref<4x200x64xf32, #tpu.memory_space<vmem>>, vector<1x1x16xf32>,
        %get3A_656 = vector.shape_cast %get3A_655 : vector<1x1x16xf32> to vector<16xf32>
        %add3A_657 = arith.addf %add3A_593, %get3A_656 : vector<16xf32>
        %get3A_658 = arith.constant 3 : i32
        %get3A_659 = arith.index_cast %get3A_658 : i32 to index
        %get3A_660 = arith.index_cast %add3A_650 : i32 to index
        %get3A_661 = arith.constant 16 : index
        %get3A_662 = tpu.vector_load %arg6[%get3A_659, %get3A_660, %get3A_661] {strides = array<i32>} : memref<4x200x64xf32, #tpu.memory_space<vmem>>, vector<1x1x16xf32>,
        %get3A_663 = vector.shape_cast %get3A_662 : vector<1x1x16xf32> to vector<16xf32>
        %add3A_664 = arith.addf %add3A_600, %get3A_663 : vector<16xf32>
        %get3A_665 = arith.constant 3 : i32
        %get3A_666 = arith.index_cast %get3A_665 : i32 to index
        %get3A_667 = arith.index_cast %add3A_650 : i32 to index
        %get3A_668 = arith.constant 32 : index
        %get3A_669 = tpu.vector_load %arg6[%get3A_666, %get3A_667, %get3A_668] {strides = array<i32>} : memref<4x200x64xf32, #tpu.memory_space<vmem>>, vector<1x1x16xf32>,
        %get3A_670 = vector.shape_cast %get3A_669 : vector<1x1x16xf32> to vector<16xf32>
        %add3A_671 = arith.addf %add3A_607, %get3A_670 : vector<16xf32>
        %get3A_672 = arith.constant 3 : i32
        %get3A_673 = arith.index_cast %get3A_672 : i32 to index
        %get3A_674 = arith.index_cast %add3A_650 : i32 to index
        %get3A_675 = arith.constant 48 : index
        %get3A_676 = tpu.vector_load %arg6[%get3A_673, %get3A_674, %get3A_675] {strides = array<i32>} : memref<4x200x64xf32, #tpu.memory_space<vmem>>, vector<1x1x16xf32>,
        %get3A_677 = vector.shape_cast %get3A_676 : vector<1x1x16xf32> to vector<16xf32>
        %add3A_678 = arith.addf %add3A_614, %get3A_677 : vector<16xf32>
        %mul3A_679 = arith.constant 8 : i32
        %mul3A_680 = arith.muli %scan3A_447, %mul3A_679 : i32
        %add3A_681 = arith.constant 7 : i32
        %add3A_682 = arith.addi %mul3A_680, %add3A_681 : i32
        %get3A_683 = arith.constant 3 : i32
        %get3A_684 = arith.index_cast %get3A_683 : i32 to index
        %get3A_685 = arith.index_cast %add3A_682 : i32 to index
        %get3A_686 = arith.constant 0 : index
        %get3A_687 = tpu.vector_load %arg6[%get3A_684, %get3A_685, %get3A_686] {strides = array<i32>} : memref<4x200x64xf32, #tpu.memory_space<vmem>>, vector<1x1x16xf32>,
        %get3A_688 = vector.shape_cast %get3A_687 : vector<1x1x16xf32> to vector<16xf32>
        %add3A_689 = arith.addf %add3A_625, %get3A_688 : vector<16xf32>
        %get3A_690 = arith.constant 3 : i32
        %get3A_691 = arith.index_cast %get3A_690 : i32 to index
        %get3A_692 = arith.index_cast %add3A_682 : i32 to index
        %get3A_693 = arith.constant 16 : index
        %get3A_694 = tpu.vector_load %arg6[%get3A_691, %get3A_692, %get3A_693] {strides = array<i32>} : memref<4x200x64xf32, #tpu.memory_space<vmem>>, vector<1x1x16xf32>,
        %get3A_695 = vector.shape_cast %get3A_694 : vector<1x1x16xf32> to vector<16xf32>
        %add3A_696 = arith.addf %add3A_632, %get3A_695 : vector<16xf32>
        %get3A_697 = arith.constant 3 : i32
        %get3A_698 = arith.index_cast %get3A_697 : i32 to index
        %get3A_699 = arith.index_cast %add3A_682 : i32 to index
        %get3A_700 = arith.constant 32 : index
        %get3A_701 = tpu.vector_load %arg6[%get3A_698, %get3A_699, %get3A_700] {strides = array<i32>} : memref<4x200x64xf32, #tpu.memory_space<vmem>>, vector<1x1x16xf32>,
        %get3A_702 = vector.shape_cast %get3A_701 : vector<1x1x16xf32> to vector<16xf32>
        %add3A_703 = arith.addf %add3A_639, %get3A_702 : vector<16xf32>
        %get3A_704 = arith.constant 3 : i32
        %get3A_705 = arith.index_cast %get3A_704 : i32 to index
        %get3A_706 = arith.index_cast %add3A_682 : i32 to index
        %get3A_707 = arith.constant 48 : index
        %get3A_708 = tpu.vector_load %arg6[%get3A_705, %get3A_706, %get3A_707] {strides = array<i32>} : memref<4x200x64xf32, #tpu.memory_space<vmem>>, vector<1x1x16xf32>,
        %get3A_709 = vector.shape_cast %get3A_708 : vector<1x1x16xf32> to vector<16xf32>
        %add3A_710 = arith.addf %add3A_646, %get3A_709 : vector<16xf32>
        scf.yield %add3A_657, %add3A_689, %add3A_664, %add3A_696, %add3A_671, %add3A_703, %add3A_678, %add3A_710 : vector<16xf32>, vector<16xf32>, vector<16xf32>, vector<16xf32>, vector<16xf32>, vector<16xf32>, vector<16xf32>, vector<16xf32>
      }
      %scan3A_407 = arith.constant 25 : i32
      %add3A_408 = arith.addf %scan3A_406#0, %scan3A_406#1 : vector<16xf32>
      %mul3A_409 = vector.broadcast %scan3A_122 : f32 to vector<16xf32>
      %mul3A_410 = arith.mulf %add3A_408, %mul3A_409 : vector<16xf32>
      %swap3A_411 = arith.index_cast %add3A_369 : i32 to index
      %swap3A_412 = arith.constant 0 : index
      %swap3A_413 = tpu.vector_load %arg7[%swap3A_411, %swap3A_412] {strides = array<i32>} : memref<128x64xf32, #tpu.memory_space<vmem>>, vector<1x16xf32>,
      %swap3A_414 = vector.shape_cast %swap3A_413 : vector<1x16xf32> to vector<16xf32>
      %swap3A_415 = vector.shape_cast %mul3A_410 : vector<16xf32> to vector<1x16xf32>
      tpu.vector_store %arg7[%swap3A_411, %swap3A_412], %swap3A_415 {strides = array<i32>} : memref<128x64xf32, #tpu.memory_space<vmem>>, vector<1x16xf32>,
      %add3A_416 = arith.addf %scan3A_406#2, %scan3A_406#3 : vector<16xf32>
      %mul3A_417 = vector.broadcast %scan3A_122 : f32 to vector<16xf32>
      %mul3A_418 = arith.mulf %add3A_416, %mul3A_417 : vector<16xf32>
      %swap3A_419 = arith.index_cast %add3A_369 : i32 to index
      %swap3A_420 = arith.constant 16 : index
      %swap3A_421 = tpu.vector_load %arg7[%swap3A_419, %swap3A_420] {strides = array<i32>} : memref<128x64xf32, #tpu.memory_space<vmem>>, vector<1x16xf32>,
      %swap3A_422 = vector.shape_cast %swap3A_421 : vector<1x16xf32> to vector<16xf32>
      %swap3A_423 = vector.shape_cast %mul3A_418 : vector<16xf32> to vector<1x16xf32>
      tpu.vector_store %arg7[%swap3A_419, %swap3A_420], %swap3A_423 {strides = array<i32>} : memref<128x64xf32, #tpu.memory_space<vmem>>, vector<1x16xf32>,
      %add3A_424 = arith.addf %scan3A_406#4, %scan3A_406#5 : vector<16xf32>
      %mul3A_425 = vector.broadcast %scan3A_122 : f32 to vector<16xf32>
      %mul3A_426 = arith.mulf %add3A_424, %mul3A_425 : vector<16xf32>
      %swap3A_427 = arith.index_cast %add3A_369 : i32 to index
      %swap3A_428 = arith.constant 32 : index
      %swap3A_429 = tpu.vector_load %arg7[%swap3A_427, %swap3A_428] {strides = array<i32>} : memref<128x64xf32, #tpu.memory_space<vmem>>, vector<1x16xf32>,
      %swap3A_430 = vector.shape_cast %swap3A_429 : vector<1x16xf32> to vector<16xf32>
      %swap3A_431 = vector.shape_cast %mul3A_426 : vector<16xf32> to vector<1x16xf32>
      tpu.vector_store %arg7[%swap3A_427, %swap3A_428], %swap3A_431 {strides = array<i32>} : memref<128x64xf32, #tpu.memory_space<vmem>>, vector<1x16xf32>,
      %add3A_432 = arith.addf %scan3A_406#6, %scan3A_406#7 : vector<16xf32>
      %mul3A_433 = vector.broadcast %scan3A_122 : f32 to vector<16xf32>
      %mul3A_434 = arith.mulf %add3A_432, %mul3A_433 : vector<16xf32>
      %swap3A_435 = arith.index_cast %add3A_369 : i32 to index
      %swap3A_436 = arith.constant 48 : index
      %swap3A_437 = tpu.vector_load %arg7[%swap3A_435, %swap3A_436] {strides = array<i32>} : memref<128x64xf32, #tpu.memory_space<vmem>>, vector<1x16xf32>,
      %swap3A_438 = vector.shape_cast %swap3A_437 : vector<1x16xf32> to vector<16xf32>
      %swap3A_439 = vector.shape_cast %mul3A_434 : vector<16xf32> to vector<1x16xf32>
      tpu.vector_store %arg7[%swap3A_435, %swap3A_436], %swap3A_439 {strides = array<i32>} : memref<128x64xf32, #tpu.memory_space<vmem>>, vector<1x16xf32>,
      %add3A_440 = arith.constant 4 : i32
      %add3A_441 = arith.addi %add3A_369, %add3A_440 : i32
      %lt3A_442 = arith.constant 128 : i32
      %lt3A_443 = arith.cmpi slt, %add3A_441, %lt3A_442 : i32
      %convert_element_type3A_444 = arith.extui %lt3A_443 : i1 to i32
      %cond3A_445 = arith.constant 0 : i32
      %cond3A_446 = arith.cmpi ne, %convert_element_type3A_444, %cond3A_445 : i32
      scf.if %cond3A_446 {
        %add3A_447 = arith.constant 4 : i32
        %add3A_448 = arith.addi %add3A_369, %add3A_447 : i32
        %dma_start3A_449 = arith.constant 3 : i32
        %dma_start3A_450 = arith.constant 3 : i32
        %dma_start3A_451 = arith.constant 0 : i32
        %dma_start3A_452 = arith.constant 0 : i32
        %dma_start3A_453 = tpu.memref_slice %arg6[%dma_start3A_449, %dma_start3A_451, %dma_start3A_452] : memref<4x200x64xf32, #tpu.memory_space<vmem>> -> memref<1x128x64xf32, #tpu.memory_space<vmem>>
        %dma_start3A_454 = tpu.memref_squeeze %dma_start3A_453 : memref<1x128x64xf32, #tpu.memory_space<vmem>> -> memref<128x64xf32, #tpu.memory_space<vmem>>
        %dma_start3A_455 = arith.constant 0 : i32
        %dma_start3A_456 = tpu.memref_slice %arg5[%add3A_448, %dma_start3A_455] : memref<128x200xi32, #tpu.memory_space<vmem>> -> memref<1x128xi32, #tpu.memory_space<vmem>>
        %dma_start3A_457 = tpu.memref_squeeze %dma_start3A_456 : memref<1x128xi32, #tpu.memory_space<vmem>> -> memref<128xi32, #tpu.memory_space<vmem>>
        %dma_start3A_458 = arith.constant 0 : i32
        %dma_start3A_459 = arith.constant 0 : i32
        %dma_start3A_460 = tpu.memref_slice %arg3[%dma_start3A_458, %dma_start3A_459] : memref<1007616x64xf32, #tpu.memory_space<hbm>> -> memref<1007616x64xf32, #tpu.memory_space<hbm>>
        %dma_start3A_461 = tpu.memref_slice %arg8[%dma_start3A_450] : memref<4x!tpu.dma_semaphore, #tpu.memory_space<semaphore_mem>> -> memref<1x!tpu.dma_semaphore, #tpu.memory_space<semaphore_mem>>
        %dma_start3A_462 = tpu.memref_squeeze %dma_start3A_461 : memref<1x!tpu.dma_semaphore, #tpu.memory_space<semaphore_mem>> -> memref<!tpu.dma_semaphore, #tpu.memory_space<semaphore_mem>>
        tpu.enqueue_indirect_dma source(%dma_start3A_460 : memref<1007616x64xf32, #tpu.memory_space<hbm>>) target(%dma_start3A_454 : memref<128x64xf32, #tpu.memory_space<vmem>>) offsets(%dma_start3A_457 : memref<128xi32, #tpu.memory_space<vmem>>) semaphore(%dma_start3A_462 : memref<!tpu.dma_semaphore, #tpu.memory_space<semaphore_mem>>)
        %dma_start3A_463 = arith.constant 3 : i32
        %dma_start3A_464 = arith.constant 3 : i32
        %dma_start3A_465 = arith.constant 128 : i32
        %dma_start3A_466 = arith.constant 0 : i32
        %dma_start3A_467 = tpu.memref_slice %arg6[%dma_start3A_463, %dma_start3A_465, %dma_start3A_466] : memref<4x200x64xf32, #tpu.memory_space<vmem>> -> memref<1x72x64xf32, #tpu.memory_space<vmem>>
        %dma_start3A_468 = tpu.memref_squeeze %dma_start3A_467 : memref<1x72x64xf32, #tpu.memory_space<vmem>> -> memref<72x64xf32, #tpu.memory_space<vmem>>
        %dma_start3A_469 = arith.constant 128 : i32
        %dma_start3A_470 = tpu.memref_slice %arg5[%add3A_448, %dma_start3A_469] : memref<128x200xi32, #tpu.memory_space<vmem>> -> memref<1x72xi32, #tpu.memory_space<vmem>>
        %dma_start3A_471 = tpu.memref_squeeze %dma_start3A_470 : memref<1x72xi32, #tpu.memory_space<vmem>> -> memref<72xi32, #tpu.memory_space<vmem>>
        %dma_start3A_472 = arith.constant 0 : i32
        %dma_start3A_473 = arith.constant 0 : i32
        %dma_start3A_474 = tpu.memref_slice %arg3[%dma_start3A_472, %dma_start3A_473] : memref<1007616x64xf32, #tpu.memory_space<hbm>> -> memref<1007616x64xf32, #tpu.memory_space<hbm>>
        %dma_start3A_475 = tpu.memref_slice %arg8[%dma_start3A_464] : memref<4x!tpu.dma_semaphore, #tpu.memory_space<semaphore_mem>> -> memref<1x!tpu.dma_semaphore, #tpu.memory_space<semaphore_mem>>
        %dma_start3A_476 = tpu.memref_squeeze %dma_start3A_475 : memref<1x!tpu.dma_semaphore, #tpu.memory_space<semaphore_mem>> -> memref<!tpu.dma_semaphore, #tpu.memory_space<semaphore_mem>>
        tpu.enqueue_indirect_dma source(%dma_start3A_474 : memref<1007616x64xf32, #tpu.memory_space<hbm>>) target(%dma_start3A_468 : memref<72x64xf32, #tpu.memory_space<vmem>>) offsets(%dma_start3A_471 : memref<72xi32, #tpu.memory_space<vmem>>) semaphore(%dma_start3A_476 : memref<!tpu.dma_semaphore, #tpu.memory_space<semaphore_mem>>)
      } else {
      }
    }
    %scan3A_127 = arith.constant 32 : i32
    "tpu.region"() ({
      %run_scoped3A = tpu.sem_alloc : memref<!tpu.dma_semaphore, #tpu.memory_space<semaphore_mem>>
      %dma_start3A_128 = arith.constant 0 : i32
      %dma_start3A_129 = tpu.memref_slice %arg4[%mul3A_2, %dma_start3A_128] : memref<4096x64xf32, #tpu.memory_space<hbm>> -> memref<128x64xf32, #tpu.memory_space<hbm>>
      %dma_start3A_130 = arith.constant 0 : i32
      %dma_start3A_131 = tpu.memref_slice %arg4[%mul3A_2, %dma_start3A_130] : memref<4096x64xf32, #tpu.memory_space<hbm>> -> memref<128x64xf32, #tpu.memory_space<hbm>>
      tpu.enqueue_dma source(%arg7 : memref<128x64xf32, #tpu.memory_space<vmem>>) target(%dma_start3A_131 : memref<128x64xf32, #tpu.memory_space<hbm>>) target_semaphore(%run_scoped3A : memref<!tpu.dma_semaphore, #tpu.memory_space<semaphore_mem>>)
      %dma_wait3A = arith.constant 0 : i32
      %dma_wait3A_132 = tpu.memref_slice %arg4[%mul3A_2, %dma_wait3A] : memref<4096x64xf32, #tpu.memory_space<hbm>> -> memref<128x64xf32, #tpu.memory_space<hbm>>
      %dma_wait3A_133 = arith.constant 0 : i32
      %dma_wait3A_134 = tpu.memref_slice %arg4[%mul3A_2, %dma_wait3A_133] : memref<4096x64xf32, #tpu.memory_space<hbm>> -> memref<128x64xf32, #tpu.memory_space<hbm>>
      tpu.wait_dma2 semaphore(%run_scoped3A : memref<!tpu.dma_semaphore, #tpu.memory_space<semaphore_mem>>) src(%arg7 : memref<128x64xf32, #tpu.memory_space<vmem>>) dst(%dma_wait3A_134 : memref<128x64xf32, #tpu.memory_space<hbm>>)
      tpu.yield
    }) : () -> ()
    return
  }
}

module attributes {stable_mosaic.version = 14 : i64} {
  func.func @_transpose_tc_body(%arg0: i32, %arg1: memref<64x4096xf32, #tpu.memory_space<vmem>>, %arg2: memref<64x4096xf32, #tpu.memory_space<vmem>>, %arg3: memref<4096x128xf32, #tpu.memory_space<vmem>>) attributes {dimension_semantics = [#tpu.dimension_semantics<arbitrary>], iteration_bounds = array<i64: 123>, scalar_prefetch = 0 : i64, scratch_operands = 0 : i64, tpu.core_type = #tpu.core_type<tc>, window_params = [{transform_indices = @transform_0, window_bounds = array<i64: 64, 4096>}, {transform_indices = @transform_1, window_bounds = array<i64: 64, 4096>}, {transform_indices = @transform_2, window_bounds = array<i64: 4096, 128>}]} {
    %iota3A = tpu.iota {dimensions = array<i32: 0>} : vector<128x128xi32>
    %iota3A_0 = tpu.iota {dimensions = array<i32: 1>} : vector<128x128xi32>
    %eq3A = arith.cmpi eq, %iota3A, %iota3A_0 : vector<128x128xi32>
    %convert_element_type3A = arith.extui %eq3A : vector<128x128xi1> to vector<128x128xi32>
    %convert_element_type3A_1 = arith.sitofp %convert_element_type3A : vector<128x128xi32> to vector<128x128xf32>
    %get3A = arith.constant 0 : index
    %get3A_2 = arith.constant 0 : index
    %get3A_3 = vector.load %arg1[%get3A, %get3A_2] : memref<64x4096xf32, #tpu.memory_space<vmem>>, vector<64x4096xf32>
    %get3A_4 = arith.constant 0 : index
    %get3A_5 = arith.constant 0 : index
    %get3A_6 = vector.load %arg2[%get3A_4, %get3A_5] : memref<64x4096xf32, #tpu.memory_space<vmem>>, vector<64x4096xf32>
    %concatenate3A = tpu.concatenate %get3A_3, %get3A_6 in 0 : vector<64x4096xf32>, vector<64x4096xf32> -> vector<128x4096xf32>
    %dot_general3A = arith.constant dense<0.000000e+00> : vector<4096x128xf32>
    %dot_general3A_7 = tpu.matmul %concatenate3A, %convert_element_type3A_1, %dot_general3A {dimension_numbers = #tpu.dot_dimension_numbers<[0], [0], [1], [1], [0, 1, 1, 1], [], []>, transpose_lhs_hint = false} : vector<128x4096xf32>, vector<128x128xf32>, vector<4096x128xf32> -> vector<4096x128xf32>
    %swap3A = arith.constant 0 : index
    %swap3A_8 = arith.constant 0 : index
    %swap3A_9 = vector.load %arg3[%swap3A, %swap3A_8] : memref<4096x128xf32, #tpu.memory_space<vmem>>, vector<4096x128xf32>
    tpu.vector_store %arg3[%swap3A, %swap3A_8], %dot_general3A_7 {strides = array<i32>} : memref<4096x128xf32, #tpu.memory_space<vmem>>, vector<4096x128xf32>,
    return
  }
  func.func @transform_0(%arg0: i32) -> (i32, i32) {
    %c0_i32 = arith.constant 0 : i32
    %c0_i32_0 = arith.constant 0 : i32
    return %c0_i32, %arg0 : i32, i32
  }
  func.func @transform_1(%arg0: i32) -> (i32, i32) {
    %add3A = arith.constant 123 : i32
    %add3A_0 = arith.addi %arg0, %add3A : i32
    %min3A = arith.constant 244 : i32
    %min3A_1 = arith.minsi %add3A_0, %min3A : i32
    %c0_i32 = arith.constant 0 : i32
    %c0_i32_2 = arith.constant 0 : i32
    return %c0_i32, %min3A_1 : i32, i32
  }
  func.func @transform_2(%arg0: i32) -> (i32, i32) {
    %c0_i32 = arith.constant 0 : i32
    %c0_i32_0 = arith.constant 0 : i32
    return %arg0, %c0_i32 : i32, i32
  }
}

module attributes {stable_mosaic.version = 14 : i64} {
  func.func @_matmul_body(%arg0: i32, %arg1: memref<256x64xf32, #tpu.memory_space<vmem>>, %arg2: memref<1000x64xf32, #tpu.memory_space<vmem>>, %arg3: memref<1x1000xf32, #tpu.memory_space<vmem>>, %arg4: memref<256x1000xf32, #tpu.memory_space<vmem>>) attributes {dimension_semantics = [#tpu.dimension_semantics<arbitrary>], iteration_bounds = array<i64: 16>, scalar_prefetch = 0 : i64, scratch_operands = 0 : i64, tpu.core_type = #tpu.core_type<tc>, window_params = [{transform_indices = @transform_0, window_bounds = array<i64: 256, 64>}, {pipeline_mode = #tpu.pipeline_mode<synchronous>, transform_indices = @transform_1, window_bounds = array<i64: 1000, 64>}, {pipeline_mode = #tpu.pipeline_mode<synchronous>, transform_indices = @transform_2, window_bounds = array<i64: 1, 1000>}, {transform_indices = @transform_3, window_bounds = array<i64: 256, 1000>}]} {
    %get3A = arith.constant 0 : index
    %get3A_0 = arith.constant 0 : index
    %get3A_1 = vector.load %arg1[%get3A, %get3A_0] : memref<256x64xf32, #tpu.memory_space<vmem>>, vector<256x64xf32>
    %get3A_2 = arith.constant 0 : index
    %get3A_3 = arith.constant 0 : index
    %get3A_4 = vector.load %arg2[%get3A_2, %get3A_3] : memref<1000x64xf32, #tpu.memory_space<vmem>>, vector<1000x64xf32>
    %dot_general3A = arith.constant dense<0.000000e+00> : vector<256x1000xf32>
    %dot_general3A_5 = tpu.matmul %get3A_1, %get3A_4, %dot_general3A {dimension_numbers = #tpu.dot_dimension_numbers<[1], [1], [0], [0], [0, 0, 1, 0], [], []>, transpose_lhs_hint = false} : vector<256x64xf32>, vector<1000x64xf32>, vector<256x1000xf32> -> vector<256x1000xf32>
    %get3A_6 = arith.constant 0 : index
    %get3A_7 = arith.constant 0 : index
    %get3A_8 = vector.load %arg3[%get3A_6, %get3A_7] : memref<1x1000xf32, #tpu.memory_space<vmem>>, vector<1x1000xf32>
    %add3A = vector.broadcast %get3A_8 : vector<1x1000xf32> to vector<256x1000xf32>
    %add3A_9 = arith.addf %dot_general3A_5, %add3A : vector<256x1000xf32>
    %swap3A = arith.constant 0 : index
    %swap3A_10 = arith.constant 0 : index
    %swap3A_11 = vector.load %arg4[%swap3A, %swap3A_10] : memref<256x1000xf32, #tpu.memory_space<vmem>>, vector<256x1000xf32>
    tpu.vector_store %arg4[%swap3A, %swap3A_10], %add3A_9 {strides = array<i32>} : memref<256x1000xf32, #tpu.memory_space<vmem>>, vector<256x1000xf32>,
    return
  }
  func.func @transform_0(%arg0: i32) -> (i32, i32) {
    %c0_i32 = arith.constant 0 : i32
    %c0_i32_0 = arith.constant 0 : i32
    return %arg0, %c0_i32 : i32, i32
  }
  func.func @transform_1(%arg0: i32) -> (i32, i32) {
    %c0_i32 = arith.constant 0 : i32
    %c0_i32_0 = arith.constant 0 : i32
    %c0_i32_1 = arith.constant 0 : i32
    return %c0_i32, %c0_i32_0 : i32, i32
  }
  func.func @transform_2(%arg0: i32) -> (i32, i32) {
    %c0_i32 = arith.constant 0 : i32
    %c0_i32_0 = arith.constant 0 : i32
    %c0_i32_1 = arith.constant 0 : i32
    return %c0_i32, %c0_i32_0 : i32, i32
  }
  func.func @transform_3(%arg0: i32) -> (i32, i32) {
    %c0_i32 = arith.constant 0 : i32
    %c0_i32_0 = arith.constant 0 : i32
    return %arg0, %c0_i32 : i32, i32
  }
}

</mosaic_0001>

<sc_bundles>
// kernel: kernel.5.cloned.1.call-start
scs
__scs_entry_jumppad:
0x0: {  	(pc) =	sbr.rel $0x88, $3  }
0x1: {  	(tag) =	ssettag $0x0;
	lr =	simm.s32 $0x1  }
0x2: {  	[smem:$0x3F9D] =	sst lr;
	_ =	strace $0xD0000000  }
0x3: {  	_ = 	snop  }
0x4: {  	_ = 	snop  }
0x5: {  	_ = 	snop  }
0x6: {  	_ = 	snop  }
0x7: {  	_ = 	snop  }
__scs_overlays_trampoline_lowered:
0x8: {  	[smem:$0x3FAC] =	sst s0  }
0x9: {  	[smem:$0x3FAD] =	sst s1  }
0xa: {  	[smem:$0x3FAE] =	sst s2  }
0xb: {  	[smem:$0x3FAF] =	sst s3  }
0xc: {  	[smem:$0x3FB0] =	sst s4  }
0xd: {  	[smem:$0x3FB1] =	sst s5  }
0xe: {  	[smem:$0x3FB2] =	sst s6  }
0xf: {  	[smem:$0x3FB3] =	sst s7  }
0x10: {  	[smem:$0x3FB4] =	sst s8  }
0x11: {  	[smem:$0x3FB5] =	sst s9;
	s0 =	simm.s32 @!p0 $0x0  }
0x12: {  	s1 =	sld [smem:$0x3F9B];
	s0 =	simm.s32 @p0 $0x1  }
0x13: {  	[smem:$0x3FB6] =	sst s0;
	s0 =	simm.s32 @!p1 $0x0  }
0x14: {  	s2 =	sld [smem:$0x3F9A];
	s0 =	simm.s32 @p1 $0x1  }
0x15: {  	[smem:$0x3FB7] =	sst s0;
	s0 =	simm.s32 @!p2 $0x0  }
0x16: {  	s3 =	sld [smem:$0x3FDB];
	s0 =	simm.s32 @p2 $0x1  }
0x17: {  	s4 =	simm.s32 $0x1BF5;
	[smem:$0x3FB9] =	sst s0  }
0x18: {  	s0 =	sld [smem:$0x3F9C];
	_ =	swait.ge [sflag:s4], $0x0  }
0x19: {  	s7 =	sld [smem:$0x3F9D]  }
0x1a: {  	s8 =	sadd.s32 $0xFFFFE003, lr  }
0x1b: {  	s9 =	sadd.s32 $0xFFFFFEF7, lr;
	s5 =	simm.s32 $0xFFFFFFFF;
	p2 =	slt.u32 s8, $0xFFFFF086  }
0x1c: {  	p1 =	slt.u32 s9, $0xF7A;
	s5 =	simm.s32 @!p2 $0x0  }
0x1d: {  	s5 =	simm.s32 @p1 $0x1;
	p0 =	seq.s32 s7, s2  }
0x1e: {  	s7 =	smul.u32 @!p0 $0xF7A, s2;
	p2 =	seq.s32 @!p0 s5, $0x0  }
0x1f: {  	s9 =	smul.u32 $0xF7A, s1;
	s8 =	simm.s32 @!p0 $0x1BF5;
	p2 =	por !p2, p0  }
0x20: {  	[sflag:s8] =	ssyncset.s32 @!p0 $0xFFFFF086;
	s6 =	sadd.s32 @!p0 s3, s7;
	s7 =	simm.s32 @!p0 $0x108  }
0x21: {  	s3 =	sadd.s32 s3, s9;
	s6 =	sadd.s32 @!p0 $0x88, s6;
	s7 =	simm.s32 @p2 $0x1082  }
0x22: {  	[simem:s7], [sflag:s8] =	dma.local @!p0 [hbm:s6], $0xF7A  }
0x23: {  	s9 =	sor.u32 $0xD0000000, s2;
	s6 =	simm.s32 $0x108;
	_ =	swait.ge @!p0 [sflag:s8], $0x0  }
0x24: {  	s3 =	sadd.s32 $0x88, s3;
	s6 =	simm.s32 @!p1 $0x1082;
	[sflag:s4] =	ssyncset.s32 $0xFFFFF086  }
0x25: {  	[simem:s6], [sflag:s4] =	dma.local [hbm:s3], $0xF7A  }
0x26: {  	[smem:$0x3F9D] =	sst s1;
	(tag) =	ssettag s2;
	_ =	strace s9  }
0x27: {  	s1 =	sld [smem:$0x3FAD]  }
0x28: {  	s2 =	sld [smem:$0x3FAE]  }
0x29: {  	s4 =	sld [smem:$0x3FB0]  }
0x2a: {  	p0 =	seq.s32 s5, $0x0;
	s5 =	sld [smem:$0x3FB1]  }
0x2b: {  	s6 =	sld [smem:$0x3FB2]  }
0x2c: {  	s7 =	sld [smem:$0x3FB3]  }
0x2d: {  	s3 =	simm.s32 $0x108;
	s8 =	sld [smem:$0x3FB4]  }
0x2e: {  	s3 =	simm.s32 @!p0 $0x1082;
	s9 =	sld [smem:$0x3FB5]  }
0x2f: {  	lr =	sadd.s32 s0, s3;
	s0 =	sld [smem:$0x3FAC]  }
0x30: {  	s3 =	sld [smem:$0x3FAF]  }
0x31: {  	[smem:$0x3FB8] =	sst s10  }
0x32: {  	s10 =	sld [smem:$0x3FB6];
	_ =	sdelay $0x3  }
0x33: {  	p0 =	seq.s32 s10, $0x1;
	s10 =	sld [smem:$0x3FB8];
	_ =	sdelay $0x3  }
0x34: {  	[smem:$0x3FB8] =	sst s10  }
0x35: {  	s10 =	sld [smem:$0x3FB7];
	_ =	sdelay $0x3  }
0x36: {  	p1 =	seq.s32 s10, $0x1;
	s10 =	sld [smem:$0x3FB8];
	_ =	sdelay $0x3  }
0x37: {  	[smem:$0x3FB8] =	sst s10  }
0x38: {  	s10 =	sld [smem:$0x3FB9]  }
0x39: {  	_ = 	snop;
	(pc) =	sbr.ind lr, $3  }
0x3a: {  	_ = 	snop  }
0x3b: {  	_ = 	snop  }
0x3c: {  	p2 =	seq.s32 s10, $0x1;
	s10 =	sld [smem:$0x3FB8]  }
0x3d: {  	_ =	shalt  }
0x3e: {  	_ =	shalt  }
0x3f: {  	_ =	shalt  }
0x40: {  	_ =	shalt  }
0x41: {  	_ =	shalt  }
0x42: {  	_ =	shalt  }
0x43: {  	_ =	shalt  }
0x44: {  	_ =	shalt  }
0x45: {  	_ =	shalt  }
0x46: {  	_ =	shalt  }
0x47: {  	_ =	shalt  }
0x48: {  	_ =	shalt  }
0x49: {  	_ =	shalt  }
0x4a: {  	_ =	shalt  }
0x4b: {  	_ =	shalt  }
0x4c: {  	_ =	shalt  }
0x4d: {  	_ =	shalt  }
0x4e: {  	_ =	shalt  }
0x4f: {  	_ =	shalt  }
0x50: {  	_ =	shalt  }
0x51: {  	_ =	shalt  }
0x52: {  	_ =	shalt  }
0x53: {  	_ =	shalt  }
0x54: {  	_ =	shalt  }
0x55: {  	_ =	shalt  }
0x56: {  	_ =	shalt  }
0x57: {  	_ =	shalt  }
0x58: {  	_ =	shalt  }
0x59: {  	_ =	shalt  }
0x5a: {  	_ =	shalt  }
0x5b: {  	_ =	shalt  }
0x5c: {  	_ =	shalt  }
0x5d: {  	_ =	shalt  }
0x5e: {  	_ =	shalt  }
0x5f: {  	_ =	shalt  }
0x60: {  	_ =	shalt  }
0x61: {  	_ =	shalt  }
0x62: {  	_ =	shalt  }
0x63: {  	_ =	shalt  }
0x64: {  	_ =	shalt  }
0x65: {  	_ =	shalt  }
0x66: {  	_ =	shalt  }
0x67: {  	_ =	shalt  }
0x68: {  	_ =	shalt  }
0x69: {  	_ =	shalt  }
0x6a: {  	_ =	shalt  }
0x6b: {  	_ =	shalt  }
0x6c: {  	_ =	shalt  }
0x6d: {  	_ =	shalt  }
0x6e: {  	_ =	shalt  }
0x6f: {  	_ =	shalt  }
0x70: {  	_ =	shalt  }
0x71: {  	_ =	shalt  }
0x72: {  	_ =	shalt  }
0x73: {  	_ =	shalt  }
0x74: {  	_ =	shalt  }
0x75: {  	_ =	shalt  }
0x76: {  	_ =	shalt  }
0x77: {  	_ =	shalt  }
0x78: {  	_ =	shalt  }
0x79: {  	_ =	shalt  }
0x7a: {  	_ =	shalt  }
0x7b: {  	_ =	shalt  }
0x7c: {  	_ =	shalt  }
0x7d: {  	_ =	shalt  }
0x7e: {  	_ =	shalt  }
0x7f: {  	_ =	shalt  }
0x80: {  	_ =	shalt  }
0x81: {  	_ =	shalt  }
0x82: {  	_ =	shalt  }
0x83: {  	_ =	shalt  }
0x84: {  	_ =	shalt  }
0x85: {  	_ =	shalt  }
0x86: {  	_ =	shalt  }
0x87: {  	_ =	shalt  }
.Lfunc_end0:
.L_simem_size_0:
called_computation_lowered:
.L_overlay_start_0:
0x88: {  	s2 =	sld [smem:$0x3FD9]  }
0x89: {  	s3 =	sld [smem:$0x3FFE];
	_ =	sdelay $0x1  }
0x8a: {  	s1 =	srdreg.scid  }
0x8b: {  	s0 =	sand.u32 $0x1, s1  }
0x8c: {  	s17 =	sshll.u32 s0, $0xA;
	s2 =	sadd.s32 s3, s2  }
0x8d: {  	s2 =	sadd.s32 s2, s17  }
0x8e: {  	[smem:$0x3FC4] =	sst s2  }
0x8f: {  	_ = 	snop  }
0x90: {  	s2 =	sld [smem:$0x3FD0];
	(tm) =	ssettm $0x1  }
0x91: {  	s18 =	sld [smem:$0x3FFB];
	_ =	sdelay $0x3  }
0x92: {  	_ =	strace s18  }
0x93: {  	s3 =	sld [smem:$0x3FFC];
	_ =	sdelay $0x3  }
0x94: {  	_ =	strace s3  }
0x95: {  	s3 =	sld [smem:$0x3FFD];
	_ =	sdelay $0x3  }
0x96: {  	_ =	strace s3  }
0x97: {  	_ =	strace $0x8FFFFFFF  }
0x98: {  	s19 =	sld [smem:$0x3FDB];
	_ =	sdelay $0x1  }
0x99: {  	s4 =	simm.s32 $_scs_section_size  }
0x9a: {  	s5 =	simm.s32 $_size__tile_overlayer_lowered;
	s6 =	simm.s32 $_tile_overlayer_lowered  }
0x9b: {  	s22 =	simm.s32 $0x1BFF;
	s21 =	sshll.u32 s6, $0x1;
	s3 =	sadd.s32 s4, s19  }
0x9c: {  	s7 =	simm.s32 $0x0;
	s20 =	sshll.u32 s5, $0x1;
	s5 =	sadd.s32 s21, s3  }
0x9d: {  	[timem:s7], [sflag:s22] =	dma.local [hbm:s5], s20  }
0x9e: {  	_ =	swait.ge [sflag:s22], s20  }
0x9f: {  	s4 =	ssub.s32 $0x0, s20;
	[sflag:s22] =	ssyncset.done $0x0  }
0xa0: {  	[sflag:s22] =	ssyncadd.s32 s4;
	_ =	sdelay $0x1  }
0xa1: {  	s23 =	simm.s32 $0x1B8B  }
0xa2: {  	_ =	swait.ge [sflag:s23], $0x1  }
0xa3: {  	[sflag:s23] =	ssyncset.done $0x0  }
0xa4: {  	s25 =	simm.s32 $0x1B8E;
	s24 =	sld [smem:$0x3FFE];
	[sflag:s23] =	ssyncadd.s32 $0xFFFFFFFF  }
0xa5: {  	s26 =	simm.s32 $execute0_lowered;
	[smem:$0x3FD2] =	sst s25  }
0xa6: {  	s5 =	sshll.u32 s26, $0x1;
	_ =	strace $0x80000046;
	[dreg:$0x1] =	wrdreg $0xFFFFFFFF  }
0xa7: {  	s28 =	simm.s32 $_size_execute0_lowered;
	s3 =	sadd.s32 s3, s5;
	[dreg:$0x0] =	wrdreg $0x0  }
0xa8: {  	s5 =	sshll.u32 s28, $0x1;
	[dreg:$0x2] =	wrdreg s3  }
0xa9: {  	[dreg:$0x3] =	wrdreg s5  }
0xaa: {  	[dreg:$0x4] =	wrdreg $0xC0  }
0xab: {  	_ =	task [dreg:s7], $0x5FFFF  }
0xac: {  	[dreg:$0x1] =	wrdreg $0xFFFFFFFF  }
0xad: {  	[dreg:$0x0] =	wrdreg $0x60  }
0xae: {  	[dreg:$0x2] =	wrdreg s2  }
0xaf: {  	[dreg:$0x3] =	wrdreg s24  }
0xb0: {  	[dreg:$0x4] =	wrdreg $0x9  }
0xb1: {  	_ =	task.clear_ibuf [dreg:s7], $0x5FFFF;
	_ =	strace $0x90000046  }
0xb2: {  	s29 =	simm.s32 $0x9;
	_ =	strace $0x80000048  }
0xb3: {  	_ =	swait.ge [sflag:s29], $0x1  }
0xb4: {  	[sflag:s29] =	ssyncadd.s32 $0xFFFFFFFF  }
0xb5: {  	_ =	strace $0x90000048  }
0xb6: {  	_ =	sfence  }
0xb7: {  	s30 =	sld [smem:$0x0];
	_ =	sdelay $0x2  }
0xb8: {  	s31 =	sshll.u32 s1, $0xD;
	s1 =	sshrl.u32 s1, $0x2  }
0xb9: {  	s3 =	sand.u32 $0x4000, s31;
	s1 =	sadd.s32 s1, s30  }
0xba: {  	s0 =	sor.u32 s3, s0;
	s1 =	sshll.u32 s1, $0x11  }
0xbb: {  	s0 =	sor.u32 s1, s0  }
0xbc: {  	s0 =	sadd.s32 $0x8F2B, s0  }
0xbd: {  	[sflag:s0] =	ssyncadd.remote.s32 $0x1  }
0xbe: {  	_ =	sfence.sel $0xFFFF  }
0xbf: {  	[dreg:$0x0] =	wrdreg $0xFFFFFFFF;
	(pc) =	sbr.abs _section_cstart, $3  }
0xc0: {  	[dreg:$0x1] =	wrdreg $0xFFFFFFFF  }
0xc1: {  	_ =	task.clear_ibuf [dreg:s7], $0x2FFFF;
	_ =	strace $0x9FFFFFFF  }
0xc2: {  	(tm) =	ssettm $0x7FFFFFFF  }
0xc3: {  	_ =	shalt  }
tec
execute0_lowered:
.L_overlay_start_1:
0x0: {  	(tag) =	ssettag $0x1  }
0x1: {  	s0 =	rddreg [dreg:$0x0]  }
0x2: {  	s1 =	rddreg [dreg:$0x1];
	s3 =	srdreg.scid  }
0x3: {  	s2 =	simm.s32 $0x0;
	s5 =	stileid.u32;
	s7 =	simm.s32 $0x5  }
0x4: {  	s8 =	simm.s32 $0x80;
	s10 =	simm.s32 $0x48;
	s13 =	simm.s32 $0x9600  }
0x5: {  	s14 =	simm.s32 $0x148;
	s15 =	simm.s32 $0xB600;
	s16 =	simm.s32 $0x190  }
0x6: {  	s17 =	simm.s32 $0xC800;
	s18 =	simm.s32 $0x210;
	s19 =	simm.s32 $0xE800  }
0x7: {  	s20 =	simm.s32 $0x258;
	s21 =	simm.s32 $0xFA00;
	s22 =	simm.s32 $0x2D8  }
0x8: {  	s23 =	simm.s32 $0x11A00;
	s24 =	simm.s32 $0x1;
	s25 =	simm.s32 $0x2  }
0x9: {  	s26 =	simm.s32 $0x3;
	s28 =	simm.s32 $0x4;
	s29 =	simm.s32 $0x12C00  }
0xa: {  	s30 =	simm.s32 $0x0;
	s3 =	sand.u32 $0x1, s3;
	[smem:$0x7FF] =	sst s2  }
.Ltmp0:
0xb: {  	s5 =	sshll.u32 s5, $0x7;
	s4 =	sshll.u32 s3, $0xB;
	(pc) =	sbr.rel .LBB2_1-.Ltmp0, $4  }
0xc: {  	_ =	strace $0x80000047;
	s6 =	ssub.s32 $0x2, s3;
	s4 =	sor.u32 s5, s4  }
0xd: {  	s31 =	sshrl.u32 s6, $0x1;
	s5 =	sshll.u32 s4, $0x3;
	s4 =	smul.u32 $0x19, s4  }
0xe: {  	s3 =	sadd.s32 $0x800, s1;
	s6 =	ssub.s32 s6, s31;
	s1 =	sadd.s32 s5, s1  }
0xf: {  	s6 =	smax.u32 s6, $0x1;
	s4 =	sadd.s32 s0, s4;
	s5 =	sadd.s32 $0x7B0800, s1  }
.LBB2_12:
0x10: {  	s30 =	sadd.s32 $0x1, s30  }
0x11: {  	p0 =	sne.s32 s30, s6  }
.Ltmp1:
0x12: {  	_ = 	snop;
	(pc) =	sbr.rel @!p0 .LBB2_13-.Ltmp1, $4  }
0x13: {  	[hbm4b:s5+s2] =	stream.linear.scatter [tilespmem:s29], [sflag:$0x5], $0x2000, $0x38;
	[tilespmem:$0x14C00] =	vst v63  }
0x14: {  	_ =	swait.ge [sflag:s7], $0x2000  }
0x15: {  	[sflag:s7] =	ssyncset.done $0x0  }
0x16: {  	[sflag:s7] =	ssyncadd.s32 $0xFFFFE000  }
.LBB2_1:
0x17: {  	[tilespmem:s2], [sflag:$0x5] =	stream.linear.gather [hbm4b:s4+s2], $0x6400, $0x38;
	[tilespmem:$0x14C00] =	vst v63  }
0x18: {  	_ =	swait.ge [sflag:s7], $0x6400  }
0x19: {  	[sflag:s7] =	ssyncset.done $0x0  }
0x1a: {  	s0 =	simm.s32 $0x6400;
	[sflag:s7] =	ssyncadd.s32 $0xFFFF9C00  }
0x1b: {  	[tilespmem:s0], [sflag:$0x1] =	stream.indirect.gather [hbm4b:s3+s8], $0x40, s2, s8, $0xb8;
	[tilespmem:$0x14C00] =	vst v63  }
0x1c: {  	s11 =	simm.s32 $0x8400  }
0x1d: {  	[tilespmem:s11], [sflag:$0x1] =	stream.indirect.gather [hbm4b:s3+s10], $0x40, s8, s10, $0xb8;
	[tilespmem:$0x14C00] =	vst v63  }
0x1e: {  	s12 =	simm.s32 $0xC8  }
0x1f: {  	[tilespmem:s13], [sflag:$0x2] =	stream.indirect.gather [hbm4b:s3+s8], $0x40, s12, s8, $0xb8;
	[tilespmem:$0x14C00] =	vst v63  }
0x20: {  	_ = 	snop  }
0x21: {  	[tilespmem:s15], [sflag:$0x2] =	stream.indirect.gather [hbm4b:s3+s10], $0x40, s14, s10, $0xb8;
	[tilespmem:$0x14C00] =	vst v63  }
0x22: {  	_ = 	snop  }
0x23: {  	[tilespmem:s17], [sflag:$0x3] =	stream.indirect.gather [hbm4b:s3+s8], $0x40, s16, s8, $0xb8;
	[tilespmem:$0x14C00] =	vst v63  }
0x24: {  	_ = 	snop  }
0x25: {  	[tilespmem:s19], [sflag:$0x3] =	stream.indirect.gather [hbm4b:s3+s10], $0x40, s18, s10, $0xb8;
	[tilespmem:$0x14C00] =	vst v63  }
0x26: {  	_ = 	snop  }
0x27: {  	[tilespmem:s21], [sflag:$0x4] =	stream.indirect.gather [hbm4b:s3+s8], $0x40, s20, s8, $0xb8;
	[tilespmem:$0x14C00] =	vst v63  }
0x28: {  	s31 =	simm.s32 $0x0  }
0x29: {  	[tilespmem:s23], [sflag:$0x4] =	stream.indirect.gather [hbm4b:s3+s10], $0x40, s22, s10, $0xb8;
	[tilespmem:$0x14C00] =	vst v63  }
.LBB2_2:
0x2a: {  	_ =	swait.ge [sflag:s24], $0x2000  }
0x2b: {  	[sflag:s24] =	ssyncset.done $0x0  }
0x2c: {  	[sflag:s24] =	ssyncadd.s32 $0xFFFFE000  }
0x2d: {  	_ =	swait.ge [sflag:s24], $0x1200  }
0x2e: {  	[sflag:s24] =	ssyncset.done $0x0  }
0x2f: {  	s0 =	simm.s32 $0x0;
	[sflag:s24] =	ssyncadd.s32 $0xFFFFEE00  }
0x30: {  	v3 =	vld [tilespmem:s0+$0x6580]  }
0x31: {  	v4 =	vld [tilespmem:s0+$0x6590]  }
0x32: {  	v5 =	vld [tilespmem:s0+$0x65A0]  }
0x33: {  	v6 =	vld [tilespmem:s0+$0x65B0]  }
0x34: {  	v0 =	vld [tilespmem:s0+$0x65C0]  }
0x35: {  	v1 =	vld [tilespmem:s0+$0x65D0]  }
0x36: {  	v13 =	vld [tilespmem:s0+$0x6500]  }
0x37: {  	v15 =	vld [tilespmem:s0+$0x6510]  }
0x38: {  	v12 =	vld [tilespmem:s0+$0x6520]  }
0x39: {  	v14 =	vld [tilespmem:s0+$0x6530]  }
0x3a: {  	v2 =	vld [tilespmem:s0+$0x6540]  }
0x3b: {  	v9 =	vld [tilespmem:s0+$0x6480]  }
0x3c: {  	v10 =	vld [tilespmem:s0+$0x6490]  }
0x3d: {  	v11 =	vld [tilespmem:s0+$0x6400]  }
0x3e: {  	v17 =	vld [tilespmem:s0+$0x6410]  }
0x3f: {  	v18 =	vld [tilespmem:s0+$0x6420]  }
0x40: {  	v19 =	vld [tilespmem:s0+$0x6430]  }
0x41: {  	v20 =	vld [tilespmem:s0+$0x64A0]  }
0x42: {  	v24 =	vld [tilespmem:s0+$0x64B0]  }
0x43: {  	v8 =	vimm.f32 $0.0e+00;
	v7 =	vld [tilespmem:s0+$0x6550]  }
0x44: {  	v16 =	vld [tilespmem:s0+$0x64C0];
	v11 =	vadd.f32 v11, v8;
	v22 =	vadd.f32 v17, v8  }
0x45: {  	v17 =	vld [tilespmem:s0+$0x64D0];
	v23 =	vadd.f32 v18, v8;
	v25 =	vadd.f32 v19, v8  }
0x46: {  	v18 =	vld [tilespmem:s0+$0x6440];
	v21 =	vadd.f32 v9, v11;
	v22 =	vadd.f32 v10, v22  }
0x47: {  	v19 =	vld [tilespmem:s0+$0x6450];
	v23 =	vadd.f32 v20, v23;
	v24 =	vadd.f32 v24, v25  }
0x48: {  	s1 =	simm.s32 $0x800;
	v20 =	vld [tilespmem:s0+$0x6460];
	v11 =	vimm.f32 $0.0e+00;
	v10 =	vimm.f32 $0.0e+00;
	v9 =	vimm.f32 $0.0e+00  }
.LBB2_3:
0x49: {  	p0 =	sne.s32 s1, $0xC000;
	v25 =	vld [tilespmem:s0+$0x6470];
	v13 =	vadd.f32 v13, v21;
	v15 =	vadd.f32 v15, v22  }
0x4a: {  	v21 =	vld [tilespmem:s0+$0x64E0];
	v12 =	vadd.f32 v12, v23;
	v14 =	vadd.f32 v14, v24  }
0x4b: {  	v22 =	vld [tilespmem:s0+$0x64F0];
	v23 =	vadd.f32 v3, v13;
	v24 =	vadd.f32 v4, v15  }
0x4c: {  	v13 =	vld [tilespmem:s0+$0x6560];
	v26 =	vadd.f32 v5, v12;
	v27 =	vadd.f32 v6, v14  }
0x4d: {  	v3 =	vadd.f32 v18, v8;
	v4 =	vadd.f32 v19, v11;
	v6 =	vld [tilespmem:s0+$0x6570]  }
0x4e: {  	v5 =	vadd.f32 v20, v10;
	v8 =	vadd.f32 v25, v9;
	v9 =	vld [tilespmem:s0+$0x65E0]  }
0x4f: {  	v10 =	vadd.f32 v16, v3;
	v11 =	vadd.f32 v17, v4;
	v12 =	vld [tilespmem:s0+$0x65F0];
	s0 =	sshra.s32 s1, $0x2  }
0x50: {  	v14 =	vadd.f32 v21, v5;
	v3 =	vld [tilespmem:s0+$0x6580];
	v8 =	vadd.f32 v22, v8  }
0x51: {  	v2 =	vadd.f32 v2, v10;
	v7 =	vadd.f32 v7, v11;
	v4 =	vld [tilespmem:s0+$0x6590]  }
0x52: {  	v10 =	vadd.f32 v13, v14;
	v5 =	vld [tilespmem:s0+$0x65A0];
	v13 =	vadd.f32 v6, v8  }
0x53: {  	v8 =	vadd.f32 v0, v2;
	v11 =	vadd.f32 v1, v7;
	v6 =	vld [tilespmem:s0+$0x65B0]  }
0x54: {  	v10 =	vadd.f32 v9, v10;
	v0 =	vld [tilespmem:s0+$0x65C0];
	v9 =	vadd.f32 v12, v13  }
0x55: {  	v1 =	vld [tilespmem:s0+$0x65D0]  }
0x56: {  	v13 =	vld [tilespmem:s0+$0x6500]  }
0x57: {  	v15 =	vld [tilespmem:s0+$0x6510]  }
0x58: {  	v12 =	vld [tilespmem:s0+$0x6520]  }
0x59: {  	v14 =	vld [tilespmem:s0+$0x6530]  }
0x5a: {  	v2 =	vld [tilespmem:s0+$0x6540]  }
0x5b: {  	v7 =	vld [tilespmem:s0+$0x6550]  }
0x5c: {  	v20 =	vld [tilespmem:s0+$0x6480]  }
0x5d: {  	v22 =	vld [tilespmem:s0+$0x6490]  }
0x5e: {  	v17 =	vld [tilespmem:s0+$0x6400]  }
0x5f: {  	v18 =	vld [tilespmem:s0+$0x6410]  }
0x60: {  	v19 =	vld [tilespmem:s0+$0x6420]  }
0x61: {  	v21 =	vld [tilespmem:s0+$0x6430]  }
0x62: {  	v25 =	vld [tilespmem:s0+$0x64A0]  }
0x63: {  	v28 =	vld [tilespmem:s0+$0x64B0]  }
.Ltmp2:
0x64: {  	v16 =	vld [tilespmem:s0+$0x64C0];
	(pc) =	sbr.rel @p0 .LBB2_3-.Ltmp2, $4  }
0x65: {  	v23 =	vadd.f32 v17, v23;
	v24 =	vadd.f32 v18, v24;
	v17 =	vld [tilespmem:s0+$0x64D0]  }
0x66: {  	v26 =	vadd.f32 v19, v26;
	v27 =	vadd.f32 v21, v27;
	v18 =	vld [tilespmem:s0+$0x6440]  }
0x67: {  	v21 =	vadd.f32 v20, v23;
	v22 =	vadd.f32 v22, v24;
	v19 =	vld [tilespmem:s0+$0x6450]  }
0x68: {  	s1 =	sadd.s32 $0x800, s1;
	v23 =	vadd.f32 v25, v26;
	v20 =	vld [tilespmem:s0+$0x6460];
	v24 =	vadd.f32 v28, v27  }
0x69: {  	v13 =	vadd.f32 v13, v21;
	v15 =	vadd.f32 v15, v22  }
0x6a: {  	v21 =	vld [tilespmem:s0+$0x6470];
	v12 =	vadd.f32 v12, v23;
	v14 =	vadd.f32 v14, v24  }
0x6b: {  	v22 =	vld [tilespmem:s0+$0x64E0];
	v3 =	vadd.f32 v3, v13;
	v4 =	vadd.f32 v4, v15  }
0x6c: {  	v13 =	vld [tilespmem:s0+$0x64F0];
	v8 =	vadd.f32 v18, v8;
	v5 =	vadd.f32 v5, v12  }
0x6d: {  	v12 =	vld [tilespmem:s0+$0x6560];
	v6 =	vadd.f32 v6, v14;
	v11 =	vadd.f32 v19, v11  }
0x6e: {  	v14 =	vld [tilespmem:s0+$0x6570];
	v10 =	vadd.f32 v20, v10;
	v8 =	vadd.f32 v16, v8  }
0x6f: {  	v15 =	vld [tilespmem:s0+$0x65E0];
	v9 =	vadd.f32 v21, v9;
	v11 =	vadd.f32 v17, v11  }
0x70: {  	v16 =	vld [tilespmem:s0+$0x65F0];
	v10 =	vadd.f32 v22, v10;
	v2 =	vadd.f32 v2, v8  }
0x71: {  	v8 =	vadd.f32 v13, v9;
	v7 =	vadd.f32 v7, v11  }
0x72: {  	v9 =	vadd.f32 v12, v10;
	v0 =	vadd.f32 v0, v2  }
0x73: {  	v2 =	vadd.f32 v14, v8;
	v1 =	vadd.f32 v1, v7  }
0x74: {  	v7 =	vadd.f32 v15, v9;
	v0 =	vadd.f32 v0, v3  }
0x75: {  	v2 =	vadd.f32 v16, v2;
	v1 =	vadd.f32 v1, v4  }
0x76: {  	s12 =	sshll.u32 s31, $0x8;
	v0 =	vmul.f32 $4.999999890e-03, v0;
	v3 =	vadd.f32 v7, v5  }
0x77: {  	p0 =	seq.s32 s31, $0x1F;
	s0 =	sand.u32 $0x3FFFFF00, s12;
	v1 =	vmul.f32 $4.999999890e-03, v1;
	v2 =	vadd.f32 v2, v6  }
0x78: {  	s1 =	smul.u32 @!p0 $0xC80, s31;
	[tilespmem:s0+$0x12C00] =	vst v0;
	v0 =	vmul.f32 $4.999999890e-03, v3  }
0x79: {  	[tilespmem:s0+$0x12C10] =	vst v1;
	v1 =	vmul.f32 $4.999999890e-03, v2  }
0x7a: {  	s1 =	sshra.s32 @!p0 s1, $0x2;
	[tilespmem:s0+$0x12C20] =	vst v0  }
0x7b: {  	s11 =	simm.s32 @!p0 $0x80;
	s9 =	sadd.s32 @!p0 $0x320, s1;
	s12 =	simm.s32 @!p0 $0x6400;
	[tilespmem:s0+$0x12C30] =	vst v1  }
0x7c: {  	[tilespmem:s12], [sflag:$0x1] =	stream.indirect.gather @!p0 [hbm4b:s3+s11], $0x40, s9, s11, $0xb8;
	[tilespmem:$0x14C00] =	vst v63  }
0x7d: {  	s9 =	sadd.s32 @!p0 $0x3A0, s1;
	s11 =	simm.s32 @!p0 $0x48;
	s12 =	simm.s32 @!p0 $0x8400  }
0x7e: {  	[tilespmem:s12], [sflag:$0x1] =	stream.indirect.gather @!p0 [hbm4b:s3+s11], $0x40, s9, s11, $0xb8;
	[tilespmem:$0x14C00] =	vst v63  }
0x7f: {  	_ =	swait.ge [sflag:s25], $0x2000  }
0x80: {  	[sflag:s25] =	ssyncset.done $0x0  }
0x81: {  	[sflag:s25] =	ssyncadd.s32 $0xFFFFE000  }
0x82: {  	_ =	swait.ge [sflag:s25], $0x1200  }
0x83: {  	[sflag:s25] =	ssyncset.done $0x0  }
0x84: {  	s9 =	simm.s32 $0x0;
	[sflag:s25] =	ssyncadd.s32 $0xFFFFEE00  }
0x85: {  	v3 =	vld [tilespmem:s9+$0x9780]  }
0x86: {  	v4 =	vld [tilespmem:s9+$0x9790]  }
0x87: {  	v5 =	vld [tilespmem:s9+$0x97A0]  }
0x88: {  	v6 =	vld [tilespmem:s9+$0x97B0]  }
0x89: {  	v0 =	vld [tilespmem:s9+$0x97C0]  }
0x8a: {  	v1 =	vld [tilespmem:s9+$0x97D0]  }
0x8b: {  	v13 =	vld [tilespmem:s9+$0x9700]  }
0x8c: {  	v15 =	vld [tilespmem:s9+$0x9710]  }
0x8d: {  	v12 =	vld [tilespmem:s9+$0x9720]  }
0x8e: {  	v14 =	vld [tilespmem:s9+$0x9730]  }
0x8f: {  	v2 =	vld [tilespmem:s9+$0x9740]  }
0x90: {  	v9 =	vld [tilespmem:s9+$0x9680]  }
0x91: {  	v10 =	vld [tilespmem:s9+$0x9690]  }
0x92: {  	v11 =	vld [tilespmem:s9+$0x9600]  }
0x93: {  	v17 =	vld [tilespmem:s9+$0x9610]  }
0x94: {  	v18 =	vld [tilespmem:s9+$0x9620]  }
0x95: {  	v19 =	vld [tilespmem:s9+$0x9630]  }
0x96: {  	v20 =	vld [tilespmem:s9+$0x96A0]  }
0x97: {  	v24 =	vld [tilespmem:s9+$0x96B0]  }
0x98: {  	v8 =	vimm.f32 $0.0e+00;
	v7 =	vld [tilespmem:s9+$0x9750]  }
0x99: {  	v16 =	vld [tilespmem:s9+$0x96C0];
	v11 =	vadd.f32 v11, v8;
	v22 =	vadd.f32 v17, v8  }
0x9a: {  	v17 =	vld [tilespmem:s9+$0x96D0];
	v23 =	vadd.f32 v18, v8;
	v25 =	vadd.f32 v19, v8  }
0x9b: {  	v18 =	vld [tilespmem:s9+$0x9640];
	v21 =	vadd.f32 v9, v11;
	v22 =	vadd.f32 v10, v22  }
0x9c: {  	v19 =	vld [tilespmem:s9+$0x9650];
	v23 =	vadd.f32 v20, v23;
	v24 =	vadd.f32 v24, v25  }
0x9d: {  	s11 =	simm.s32 $0x800;
	v20 =	vld [tilespmem:s9+$0x9660];
	v11 =	vimm.f32 $0.0e+00;
	v10 =	vimm.f32 $0.0e+00;
	v9 =	vimm.f32 $0.0e+00  }
.LBB2_5:
0x9e: {  	p1 =	sne.s32 s11, $0xC000;
	v25 =	vld [tilespmem:s9+$0x9670];
	v13 =	vadd.f32 v13, v21;
	v15 =	vadd.f32 v15, v22  }
0x9f: {  	v21 =	vld [tilespmem:s9+$0x96E0];
	v12 =	vadd.f32 v12, v23;
	v14 =	vadd.f32 v14, v24  }
0xa0: {  	v22 =	vld [tilespmem:s9+$0x96F0];
	v23 =	vadd.f32 v3, v13;
	v24 =	vadd.f32 v4, v15  }
0xa1: {  	v13 =	vld [tilespmem:s9+$0x9760];
	v26 =	vadd.f32 v5, v12;
	v27 =	vadd.f32 v6, v14  }
0xa2: {  	v3 =	vadd.f32 v18, v8;
	v4 =	vadd.f32 v19, v11;
	v6 =	vld [tilespmem:s9+$0x9770]  }
0xa3: {  	v5 =	vadd.f32 v20, v10;
	v8 =	vadd.f32 v25, v9;
	v9 =	vld [tilespmem:s9+$0x97E0]  }
0xa4: {  	v10 =	vadd.f32 v16, v3;
	v11 =	vadd.f32 v17, v4;
	v12 =	vld [tilespmem:s9+$0x97F0];
	s9 =	sshra.s32 s11, $0x2  }
0xa5: {  	v14 =	vadd.f32 v21, v5;
	v3 =	vld [tilespmem:s9+$0x9780];
	v8 =	vadd.f32 v22, v8  }
0xa6: {  	v2 =	vadd.f32 v2, v10;
	v7 =	vadd.f32 v7, v11;
	v4 =	vld [tilespmem:s9+$0x9790]  }
0xa7: {  	v10 =	vadd.f32 v13, v14;
	v5 =	vld [tilespmem:s9+$0x97A0];
	v13 =	vadd.f32 v6, v8  }
0xa8: {  	v8 =	vadd.f32 v0, v2;
	v11 =	vadd.f32 v1, v7;
	v6 =	vld [tilespmem:s9+$0x97B0]  }
0xa9: {  	v10 =	vadd.f32 v9, v10;
	v0 =	vld [tilespmem:s9+$0x97C0];
	v9 =	vadd.f32 v12, v13  }
0xaa: {  	v1 =	vld [tilespmem:s9+$0x97D0]  }
0xab: {  	v13 =	vld [tilespmem:s9+$0x9700]  }
0xac: {  	v15 =	vld [tilespmem:s9+$0x9710]  }
0xad: {  	v12 =	vld [tilespmem:s9+$0x9720]  }
0xae: {  	v14 =	vld [tilespmem:s9+$0x9730]  }
0xaf: {  	v2 =	vld [tilespmem:s9+$0x9740]  }
0xb0: {  	v7 =	vld [tilespmem:s9+$0x9750]  }
0xb1: {  	v20 =	vld [tilespmem:s9+$0x9680]  }
0xb2: {  	v22 =	vld [tilespmem:s9+$0x9690]  }
0xb3: {  	v17 =	vld [tilespmem:s9+$0x9600]  }
0xb4: {  	v18 =	vld [tilespmem:s9+$0x9610]  }
0xb5: {  	v19 =	vld [tilespmem:s9+$0x9620]  }
0xb6: {  	v21 =	vld [tilespmem:s9+$0x9630]  }
0xb7: {  	v25 =	vld [tilespmem:s9+$0x96A0]  }
0xb8: {  	v28 =	vld [tilespmem:s9+$0x96B0]  }
.Ltmp3:
0xb9: {  	v16 =	vld [tilespmem:s9+$0x96C0];
	(pc) =	sbr.rel @p1 .LBB2_5-.Ltmp3, $4  }
0xba: {  	v23 =	vadd.f32 v17, v23;
	v24 =	vadd.f32 v18, v24;
	v17 =	vld [tilespmem:s9+$0x96D0]  }
0xbb: {  	v26 =	vadd.f32 v19, v26;
	v27 =	vadd.f32 v21, v27;
	v18 =	vld [tilespmem:s9+$0x9640]  }
0xbc: {  	v21 =	vadd.f32 v20, v23;
	v22 =	vadd.f32 v22, v24;
	v19 =	vld [tilespmem:s9+$0x9650]  }
0xbd: {  	s11 =	sadd.s32 $0x800, s11;
	v23 =	vadd.f32 v25, v26;
	v20 =	vld [tilespmem:s9+$0x9660];
	v24 =	vadd.f32 v28, v27  }
0xbe: {  	v13 =	vadd.f32 v13, v21;
	v15 =	vadd.f32 v15, v22  }
0xbf: {  	v21 =	vld [tilespmem:s9+$0x9670];
	v12 =	vadd.f32 v12, v23;
	v14 =	vadd.f32 v14, v24  }
0xc0: {  	v22 =	vld [tilespmem:s9+$0x96E0];
	v3 =	vadd.f32 v3, v13;
	v4 =	vadd.f32 v4, v15  }
0xc1: {  	v13 =	vld [tilespmem:s9+$0x96F0];
	v8 =	vadd.f32 v18, v8;
	v5 =	vadd.f32 v5, v12  }
0xc2: {  	v12 =	vld [tilespmem:s9+$0x9760];
	v6 =	vadd.f32 v6, v14;
	v11 =	vadd.f32 v19, v11  }
0xc3: {  	v14 =	vld [tilespmem:s9+$0x9770];
	v10 =	vadd.f32 v20, v10;
	v8 =	vadd.f32 v16, v8  }
0xc4: {  	v15 =	vld [tilespmem:s9+$0x97E0];
	v9 =	vadd.f32 v21, v9;
	v11 =	vadd.f32 v17, v11  }
0xc5: {  	v16 =	vld [tilespmem:s9+$0x97F0];
	v10 =	vadd.f32 v22, v10;
	v2 =	vadd.f32 v2, v8  }
0xc6: {  	v8 =	vadd.f32 v13, v9;
	v7 =	vadd.f32 v7, v11  }
0xc7: {  	v9 =	vadd.f32 v12, v10;
	v0 =	vadd.f32 v0, v2  }
0xc8: {  	v2 =	vadd.f32 v14, v8;
	v1 =	vadd.f32 v1, v7  }
0xc9: {  	v7 =	vadd.f32 v15, v9;
	v0 =	vadd.f32 v0, v3  }
0xca: {  	v2 =	vadd.f32 v16, v2;
	v1 =	vadd.f32 v1, v4  }
0xcb: {  	v0 =	vmul.f32 $4.999999890e-03, v0;
	v3 =	vadd.f32 v7, v5  }
0xcc: {  	v1 =	vmul.f32 $4.999999890e-03, v1;
	v2 =	vadd.f32 v2, v6  }
0xcd: {  	[tilespmem:s0+$0x12C40] =	vst v0;
	v0 =	vmul.f32 $4.999999890e-03, v3  }
0xce: {  	[tilespmem:s0+$0x12C50] =	vst v1;
	v1 =	vmul.f32 $4.999999890e-03, v2  }
0xcf: {  	[tilespmem:s0+$0x12C60] =	vst v0  }
0xd0: {  	s11 =	simm.s32 @!p0 $0x80;
	s12 =	simm.s32 @!p0 $0x9600;
	s9 =	sadd.s32 @!p0 $0x3E8, s1;
	[tilespmem:s0+$0x12C70] =	vst v1  }
0xd1: {  	[tilespmem:s12], [sflag:$0x2] =	stream.indirect.gather @!p0 [hbm4b:s3+s11], $0x40, s9, s11, $0xb8;
	[tilespmem:$0x14C00] =	vst v63  }
0xd2: {  	s9 =	sadd.s32 @!p0 $0x468, s1;
	s11 =	simm.s32 @!p0 $0x48;
	s12 =	simm.s32 @!p0 $0xB600  }
0xd3: {  	[tilespmem:s12], [sflag:$0x2] =	stream.indirect.gather @!p0 [hbm4b:s3+s11], $0x40, s9, s11, $0xb8;
	[tilespmem:$0x14C00] =	vst v63  }
0xd4: {  	_ =	swait.ge [sflag:s26], $0x2000  }
0xd5: {  	[sflag:s26] =	ssyncset.done $0x0  }
0xd6: {  	[sflag:s26] =	ssyncadd.s32 $0xFFFFE000  }
0xd7: {  	_ =	swait.ge [sflag:s26], $0x1200  }
0xd8: {  	[sflag:s26] =	ssyncset.done $0x0  }
0xd9: {  	s9 =	simm.s32 $0x0;
	[sflag:s26] =	ssyncadd.s32 $0xFFFFEE00  }
0xda: {  	v3 =	vld [tilespmem:s9+$0xC980]  }
0xdb: {  	v4 =	vld [tilespmem:s9+$0xC990]  }
0xdc: {  	v5 =	vld [tilespmem:s9+$0xC9A0]  }
0xdd: {  	v6 =	vld [tilespmem:s9+$0xC9B0]  }
0xde: {  	v0 =	vld [tilespmem:s9+$0xC9C0]  }
0xdf: {  	v1 =	vld [tilespmem:s9+$0xC9D0]  }
0xe0: {  	v13 =	vld [tilespmem:s9+$0xC900]  }
0xe1: {  	v15 =	vld [tilespmem:s9+$0xC910]  }
0xe2: {  	v12 =	vld [tilespmem:s9+$0xC920]  }
0xe3: {  	v14 =	vld [tilespmem:s9+$0xC930]  }
0xe4: {  	v2 =	vld [tilespmem:s9+$0xC940]  }
0xe5: {  	v9 =	vld [tilespmem:s9+$0xC880]  }
0xe6: {  	v10 =	vld [tilespmem:s9+$0xC890]  }
0xe7: {  	v11 =	vld [tilespmem:s9+$0xC800]  }
0xe8: {  	v17 =	vld [tilespmem:s9+$0xC810]  }
0xe9: {  	v18 =	vld [tilespmem:s9+$0xC820]  }
0xea: {  	v19 =	vld [tilespmem:s9+$0xC830]  }
0xeb: {  	v20 =	vld [tilespmem:s9+$0xC8A0]  }
0xec: {  	v24 =	vld [tilespmem:s9+$0xC8B0]  }
0xed: {  	v8 =	vimm.f32 $0.0e+00;
	v7 =	vld [tilespmem:s9+$0xC950]  }
0xee: {  	v16 =	vld [tilespmem:s9+$0xC8C0];
	v11 =	vadd.f32 v11, v8;
	v22 =	vadd.f32 v17, v8  }
0xef: {  	v17 =	vld [tilespmem:s9+$0xC8D0];
	v23 =	vadd.f32 v18, v8;
	v25 =	vadd.f32 v19, v8  }
0xf0: {  	v18 =	vld [tilespmem:s9+$0xC840];
	v21 =	vadd.f32 v9, v11;
	v22 =	vadd.f32 v10, v22  }
0xf1: {  	v19 =	vld [tilespmem:s9+$0xC850];
	v23 =	vadd.f32 v20, v23;
	v24 =	vadd.f32 v24, v25  }
0xf2: {  	s11 =	simm.s32 $0x800;
	v20 =	vld [tilespmem:s9+$0xC860];
	v11 =	vimm.f32 $0.0e+00;
	v10 =	vimm.f32 $0.0e+00;
	v9 =	vimm.f32 $0.0e+00  }
.LBB2_7:
0xf3: {  	p1 =	sne.s32 s11, $0xC000;
	v25 =	vld [tilespmem:s9+$0xC870];
	v13 =	vadd.f32 v13, v21;
	v15 =	vadd.f32 v15, v22  }
0xf4: {  	v21 =	vld [tilespmem:s9+$0xC8E0];
	v12 =	vadd.f32 v12, v23;
	v14 =	vadd.f32 v14, v24  }
0xf5: {  	v22 =	vld [tilespmem:s9+$0xC8F0];
	v23 =	vadd.f32 v3, v13;
	v24 =	vadd.f32 v4, v15  }
0xf6: {  	v13 =	vld [tilespmem:s9+$0xC960];
	v26 =	vadd.f32 v5, v12;
	v27 =	vadd.f32 v6, v14  }
0xf7: {  	v3 =	vadd.f32 v18, v8;
	v4 =	vadd.f32 v19, v11;
	v6 =	vld [tilespmem:s9+$0xC970]  }
0xf8: {  	v5 =	vadd.f32 v20, v10;
	v8 =	vadd.f32 v25, v9;
	v9 =	vld [tilespmem:s9+$0xC9E0]  }
0xf9: {  	v10 =	vadd.f32 v16, v3;
	v11 =	vadd.f32 v17, v4;
	v12 =	vld [tilespmem:s9+$0xC9F0];
	s9 =	sshra.s32 s11, $0x2  }
0xfa: {  	v14 =	vadd.f32 v21, v5;
	v3 =	vld [tilespmem:s9+$0xC980];
	v8 =	vadd.f32 v22, v8  }
0xfb: {  	v2 =	vadd.f32 v2, v10;
	v7 =	vadd.f32 v7, v11;
	v4 =	vld [tilespmem:s9+$0xC990]  }
0xfc: {  	v10 =	vadd.f32 v13, v14;
	v5 =	vld [tilespmem:s9+$0xC9A0];
	v13 =	vadd.f32 v6, v8  }
0xfd: {  	v8 =	vadd.f32 v0, v2;
	v11 =	vadd.f32 v1, v7;
	v6 =	vld [tilespmem:s9+$0xC9B0]  }
0xfe: {  	v10 =	vadd.f32 v9, v10;
	v0 =	vld [tilespmem:s9+$0xC9C0];
	v9 =	vadd.f32 v12, v13  }
0xff: {  	v1 =	vld [tilespmem:s9+$0xC9D0]  }
0x100: {  	v13 =	vld [tilespmem:s9+$0xC900]  }
0x101: {  	v15 =	vld [tilespmem:s9+$0xC910]  }
0x102: {  	v12 =	vld [tilespmem:s9+$0xC920]  }
0x103: {  	v14 =	vld [tilespmem:s9+$0xC930]  }
0x104: {  	v2 =	vld [tilespmem:s9+$0xC940]  }
0x105: {  	v7 =	vld [tilespmem:s9+$0xC950]  }
0x106: {  	v20 =	vld [tilespmem:s9+$0xC880]  }
0x107: {  	v22 =	vld [tilespmem:s9+$0xC890]  }
0x108: {  	v17 =	vld [tilespmem:s9+$0xC800]  }
0x109: {  	v18 =	vld [tilespmem:s9+$0xC810]  }
0x10a: {  	v19 =	vld [tilespmem:s9+$0xC820]  }
0x10b: {  	v21 =	vld [tilespmem:s9+$0xC830]  }
0x10c: {  	v25 =	vld [tilespmem:s9+$0xC8A0]  }
0x10d: {  	v28 =	vld [tilespmem:s9+$0xC8B0]  }
.Ltmp4:
0x10e: {  	v16 =	vld [tilespmem:s9+$0xC8C0];
	(pc) =	sbr.rel @p1 .LBB2_7-.Ltmp4, $4  }
0x10f: {  	v23 =	vadd.f32 v17, v23;
	v24 =	vadd.f32 v18, v24;
	v17 =	vld [tilespmem:s9+$0xC8D0]  }
0x110: {  	v26 =	vadd.f32 v19, v26;
	v27 =	vadd.f32 v21, v27;
	v18 =	vld [tilespmem:s9+$0xC840]  }
0x111: {  	v21 =	vadd.f32 v20, v23;
	v22 =	vadd.f32 v22, v24;
	v19 =	vld [tilespmem:s9+$0xC850]  }
0x112: {  	s11 =	sadd.s32 $0x800, s11;
	v23 =	vadd.f32 v25, v26;
	v20 =	vld [tilespmem:s9+$0xC860];
	v24 =	vadd.f32 v28, v27  }
0x113: {  	v13 =	vadd.f32 v13, v21;
	v15 =	vadd.f32 v15, v22  }
0x114: {  	v21 =	vld [tilespmem:s9+$0xC870];
	v12 =	vadd.f32 v12, v23;
	v14 =	vadd.f32 v14, v24  }
0x115: {  	v22 =	vld [tilespmem:s9+$0xC8E0];
	v3 =	vadd.f32 v3, v13;
	v4 =	vadd.f32 v4, v15  }
0x116: {  	v13 =	vld [tilespmem:s9+$0xC8F0];
	v8 =	vadd.f32 v18, v8;
	v5 =	vadd.f32 v5, v12  }
0x117: {  	v12 =	vld [tilespmem:s9+$0xC960];
	v6 =	vadd.f32 v6, v14;
	v11 =	vadd.f32 v19, v11  }
0x118: {  	v14 =	vld [tilespmem:s9+$0xC970];
	v10 =	vadd.f32 v20, v10;
	v8 =	vadd.f32 v16, v8  }
0x119: {  	v15 =	vld [tilespmem:s9+$0xC9E0];
	v9 =	vadd.f32 v21, v9;
	v11 =	vadd.f32 v17, v11  }
0x11a: {  	v16 =	vld [tilespmem:s9+$0xC9F0];
	v10 =	vadd.f32 v22, v10;
	v2 =	vadd.f32 v2, v8  }
0x11b: {  	v8 =	vadd.f32 v13, v9;
	v7 =	vadd.f32 v7, v11  }
0x11c: {  	v9 =	vadd.f32 v12, v10;
	v0 =	vadd.f32 v0, v2  }
0x11d: {  	v2 =	vadd.f32 v14, v8;
	v1 =	vadd.f32 v1, v7  }
0x11e: {  	v7 =	vadd.f32 v15, v9;
	v0 =	vadd.f32 v0, v3  }
0x11f: {  	v2 =	vadd.f32 v16, v2;
	v1 =	vadd.f32 v1, v4  }
0x120: {  	v0 =	vmul.f32 $4.999999890e-03, v0;
	v3 =	vadd.f32 v7, v5  }
0x121: {  	v1 =	vmul.f32 $4.999999890e-03, v1;
	v2 =	vadd.f32 v2, v6  }
0x122: {  	[tilespmem:s0+$0x12C80] =	vst v0;
	v0 =	vmul.f32 $4.999999890e-03, v3  }
0x123: {  	[tilespmem:s0+$0x12C90] =	vst v1;
	v1 =	vmul.f32 $4.999999890e-03, v2  }
0x124: {  	[tilespmem:s0+$0x12CA0] =	vst v0  }
0x125: {  	s11 =	simm.s32 @!p0 $0x80;
	s12 =	simm.s32 @!p0 $0xC800;
	s9 =	sadd.s32 @!p0 $0x4B0, s1;
	[tilespmem:s0+$0x12CB0] =	vst v1  }
0x126: {  	[tilespmem:s12], [sflag:$0x3] =	stream.indirect.gather @!p0 [hbm4b:s3+s11], $0x40, s9, s11, $0xb8;
	[tilespmem:$0x14C00] =	vst v63  }
0x127: {  	s1 =	sadd.s32 @!p0 $0x530, s1;
	s9 =	simm.s32 @!p0 $0x48;
	s11 =	simm.s32 @!p0 $0xE800  }
0x128: {  	[tilespmem:s11], [sflag:$0x3] =	stream.indirect.gather @!p0 [hbm4b:s3+s9], $0x40, s1, s9, $0xb8;
	[tilespmem:$0x14C00] =	vst v63  }
0x129: {  	_ =	swait.ge [sflag:s28], $0x2000  }
0x12a: {  	[sflag:s28] =	ssyncset.done $0x0  }
0x12b: {  	[sflag:s28] =	ssyncadd.s32 $0xFFFFE000  }
0x12c: {  	_ =	swait.ge [sflag:s28], $0x1200  }
0x12d: {  	[sflag:s28] =	ssyncset.done $0x0  }
0x12e: {  	s1 =	simm.s32 $0x0;
	[sflag:s28] =	ssyncadd.s32 $0xFFFFEE00  }
0x12f: {  	v3 =	vld [tilespmem:s1+$0xFB80]  }
0x130: {  	v4 =	vld [tilespmem:s1+$0xFB90]  }
0x131: {  	v5 =	vld [tilespmem:s1+$0xFBA0]  }
0x132: {  	v6 =	vld [tilespmem:s1+$0xFBB0]  }
0x133: {  	v0 =	vld [tilespmem:s1+$0xFBC0]  }
0x134: {  	v1 =	vld [tilespmem:s1+$0xFBD0]  }
0x135: {  	v13 =	vld [tilespmem:s1+$0xFB00]  }
0x136: {  	v15 =	vld [tilespmem:s1+$0xFB10]  }
0x137: {  	v12 =	vld [tilespmem:s1+$0xFB20]  }
0x138: {  	v14 =	vld [tilespmem:s1+$0xFB30]  }
0x139: {  	v2 =	vld [tilespmem:s1+$0xFB40]  }
0x13a: {  	v9 =	vld [tilespmem:s1+$0xFA80]  }
0x13b: {  	v10 =	vld [tilespmem:s1+$0xFA90]  }
0x13c: {  	v11 =	vld [tilespmem:s1+$0xFA00]  }
0x13d: {  	v17 =	vld [tilespmem:s1+$0xFA10]  }
0x13e: {  	v18 =	vld [tilespmem:s1+$0xFA20]  }
0x13f: {  	v19 =	vld [tilespmem:s1+$0xFA30]  }
0x140: {  	v20 =	vld [tilespmem:s1+$0xFAA0]  }
0x141: {  	v24 =	vld [tilespmem:s1+$0xFAB0]  }
0x142: {  	v8 =	vimm.f32 $0.0e+00;
	v7 =	vld [tilespmem:s1+$0xFB50]  }
0x143: {  	v16 =	vld [tilespmem:s1+$0xFAC0];
	v11 =	vadd.f32 v11, v8;
	v22 =	vadd.f32 v17, v8  }
0x144: {  	v17 =	vld [tilespmem:s1+$0xFAD0];
	v23 =	vadd.f32 v18, v8;
	v25 =	vadd.f32 v19, v8  }
0x145: {  	v18 =	vld [tilespmem:s1+$0xFA40];
	v21 =	vadd.f32 v9, v11;
	v22 =	vadd.f32 v10, v22  }
0x146: {  	v19 =	vld [tilespmem:s1+$0xFA50];
	v23 =	vadd.f32 v20, v23;
	v24 =	vadd.f32 v24, v25  }
0x147: {  	s9 =	simm.s32 $0x800;
	v20 =	vld [tilespmem:s1+$0xFA60];
	v11 =	vimm.f32 $0.0e+00;
	v10 =	vimm.f32 $0.0e+00;
	v9 =	vimm.f32 $0.0e+00  }
.LBB2_9:
0x148: {  	p1 =	sne.s32 s9, $0xC000;
	v25 =	vld [tilespmem:s1+$0xFA70];
	v13 =	vadd.f32 v13, v21;
	v15 =	vadd.f32 v15, v22  }
0x149: {  	v21 =	vld [tilespmem:s1+$0xFAE0];
	v12 =	vadd.f32 v12, v23;
	v14 =	vadd.f32 v14, v24  }
0x14a: {  	v22 =	vld [tilespmem:s1+$0xFAF0];
	v23 =	vadd.f32 v3, v13;
	v24 =	vadd.f32 v4, v15  }
0x14b: {  	v13 =	vld [tilespmem:s1+$0xFB60];
	v26 =	vadd.f32 v5, v12;
	v27 =	vadd.f32 v6, v14  }
0x14c: {  	v3 =	vadd.f32 v18, v8;
	v4 =	vadd.f32 v19, v11;
	v6 =	vld [tilespmem:s1+$0xFB70]  }
0x14d: {  	v5 =	vadd.f32 v20, v10;
	v8 =	vadd.f32 v25, v9;
	v9 =	vld [tilespmem:s1+$0xFBE0]  }
0x14e: {  	v10 =	vadd.f32 v16, v3;
	v11 =	vadd.f32 v17, v4;
	v12 =	vld [tilespmem:s1+$0xFBF0];
	s1 =	sshra.s32 s9, $0x2  }
0x14f: {  	v14 =	vadd.f32 v21, v5;
	v3 =	vld [tilespmem:s1+$0xFB80];
	v8 =	vadd.f32 v22, v8  }
0x150: {  	v2 =	vadd.f32 v2, v10;
	v7 =	vadd.f32 v7, v11;
	v4 =	vld [tilespmem:s1+$0xFB90]  }
0x151: {  	v10 =	vadd.f32 v13, v14;
	v5 =	vld [tilespmem:s1+$0xFBA0];
	v13 =	vadd.f32 v6, v8  }
0x152: {  	v8 =	vadd.f32 v0, v2;
	v11 =	vadd.f32 v1, v7;
	v6 =	vld [tilespmem:s1+$0xFBB0]  }
0x153: {  	v10 =	vadd.f32 v9, v10;
	v0 =	vld [tilespmem:s1+$0xFBC0];
	v9 =	vadd.f32 v12, v13  }
0x154: {  	v1 =	vld [tilespmem:s1+$0xFBD0]  }
0x155: {  	v13 =	vld [tilespmem:s1+$0xFB00]  }
0x156: {  	v15 =	vld [tilespmem:s1+$0xFB10]  }
0x157: {  	v12 =	vld [tilespmem:s1+$0xFB20]  }
0x158: {  	v14 =	vld [tilespmem:s1+$0xFB30]  }
0x159: {  	v2 =	vld [tilespmem:s1+$0xFB40]  }
0x15a: {  	v7 =	vld [tilespmem:s1+$0xFB50]  }
0x15b: {  	v20 =	vld [tilespmem:s1+$0xFA80]  }
0x15c: {  	v22 =	vld [tilespmem:s1+$0xFA90]  }
0x15d: {  	v17 =	vld [tilespmem:s1+$0xFA00]  }
0x15e: {  	v18 =	vld [tilespmem:s1+$0xFA10]  }
0x15f: {  	v19 =	vld [tilespmem:s1+$0xFA20]  }
0x160: {  	v21 =	vld [tilespmem:s1+$0xFA30]  }
0x161: {  	v25 =	vld [tilespmem:s1+$0xFAA0]  }
0x162: {  	v28 =	vld [tilespmem:s1+$0xFAB0]  }
.Ltmp5:
0x163: {  	v16 =	vld [tilespmem:s1+$0xFAC0];
	(pc) =	sbr.rel @p1 .LBB2_9-.Ltmp5, $4  }
0x164: {  	v23 =	vadd.f32 v17, v23;
	v24 =	vadd.f32 v18, v24;
	v17 =	vld [tilespmem:s1+$0xFAD0]  }
0x165: {  	v26 =	vadd.f32 v19, v26;
	v27 =	vadd.f32 v21, v27;
	v18 =	vld [tilespmem:s1+$0xFA40]  }
0x166: {  	v21 =	vadd.f32 v20, v23;
	v22 =	vadd.f32 v22, v24;
	v19 =	vld [tilespmem:s1+$0xFA50]  }
0x167: {  	s9 =	sadd.s32 $0x800, s9;
	v23 =	vadd.f32 v25, v26;
	v20 =	vld [tilespmem:s1+$0xFA60];
	v24 =	vadd.f32 v28, v27  }
0x168: {  	v13 =	vadd.f32 v13, v21;
	v15 =	vadd.f32 v15, v22  }
0x169: {  	v50 =	vld [tilespmem:s1+$0xFA70];
	v12 =	vadd.f32 v12, v23;
	v14 =	vadd.f32 v14, v24  }
0x16a: {  	v51 =	vld [tilespmem:s1+$0xFAE0];
	v3 =	vadd.f32 v3, v13;
	v4 =	vadd.f32 v4, v15  }
0x16b: {  	v52 =	vld [tilespmem:s1+$0xFAF0];
	v8 =	vadd.f32 v18, v8;
	v5 =	vadd.f32 v5, v12  }
0x16c: {  	v53 =	vld [tilespmem:s1+$0xFB60];
	v6 =	vadd.f32 v6, v14;
	v11 =	vadd.f32 v19, v11  }
0x16d: {  	v54 =	vld [tilespmem:s1+$0xFB70];
	v10 =	vadd.f32 v20, v10;
	v8 =	vadd.f32 v16, v8  }
0x16e: {  	v55 =	vld [tilespmem:s1+$0xFBE0];
	v9 =	vadd.f32 v50, v9;
	v11 =	vadd.f32 v17, v11  }
0x16f: {  	v56 =	vld [tilespmem:s1+$0xFBF0];
	v10 =	vadd.f32 v51, v10;
	v2 =	vadd.f32 v2, v8  }
0x170: {  	v57 =	vadd.f32 v52, v9;
	v7 =	vadd.f32 v7, v11  }
0x171: {  	v58 =	vadd.f32 v53, v10;
	v0 =	vadd.f32 v0, v2  }
0x172: {  	v59 =	vadd.f32 v54, v57;
	v1 =	vadd.f32 v1, v7  }
0x173: {  	v60 =	vadd.f32 v55, v58;
	v0 =	vadd.f32 v0, v3  }
0x174: {  	v2 =	vadd.f32 v56, v59;
	v1 =	vadd.f32 v1, v4  }
0x175: {  	v0 =	vmul.f32 $4.999999890e-03, v0;
	v61 =	vadd.f32 v60, v5  }
.Ltmp6:
0x176: {  	v1 =	vmul.f32 $4.999999890e-03, v1;
	v2 =	vadd.f32 v2, v6;
	(pc) =	sbr.rel @p0 .LBB2_12-.Ltmp6, $4  }
0x177: {  	[tilespmem:s0+$0x12CC0] =	vst v0;
	v62 =	vmul.f32 $4.999999890e-03, v61  }
0x178: {  	[tilespmem:s0+$0x12CD0] =	vst v1;
	v63 =	vmul.f32 $4.999999890e-03, v2  }
0x179: {  	[tilespmem:s0+$0x12CE0] =	vst v62  }
0x17a: {  	[tilespmem:s0+$0x12CF0] =	vst v63  }
0x17b: {  	s0 =	smul.u32 $0xC80, s31;
	_ =	sdelay $0x1  }
.Ltmp7:
0x17c: {  	s0 =	sshra.s32 s0, $0x2;
	(pc) =	sbr.rel .LBB2_2-.Ltmp7, $4  }
0x17d: {  	s1 =	sadd.s32 $0x578, s0  }
0x17e: {  	[tilespmem:s21], [sflag:$0x4] =	stream.indirect.gather [hbm4b:s3+s8], $0x40, s1, s8, $0xb8;
	[tilespmem:$0x14C00] =	vst v63  }
0x17f: {  	s31 =	sadd.s32 $0x1, s31;
	s0 =	sadd.s32 $0x5F8, s0  }
0x180: {  	[tilespmem:s23], [sflag:$0x4] =	stream.indirect.gather [hbm4b:s3+s10], $0x40, s0, s10, $0xb8;
	[tilespmem:$0x14C00] =	vst v63  }
.LBB2_13:
0x181: {  	_ =	sfence.sel $0x180000  }
0x182: {  	[bflag:$0x0] =	sbarrier.arrive $0xFFFF  }
0x183: {  	_ =	strace $0x90000047  }
0x184: {  	s0 =	stileid.u32;
	[bflag:$0x2] =	sbarrier.arrive $0xFFFF  }
0x185: {  	p0 =	sne.s32 s0, $0x0;
	s0 =	rddreg [dreg:$0x2]  }
0x186: {  	s0 =	sadd.s32 @!p0 $0x100000, s0  }
0x187: {  	[sflag:s0] =	ssyncadd.tile.s32 @!p0 $0x1;
	_ =	shalt  }
.Lfunc_end2:
_tile_overlayer_lowered:
.L_overlay_start_2:
0x188: {  	(tag) =	ssettag $0x2  }
0x189: {  	s0 =	rddreg [dreg:$0x0];
	s2 =	stileid.u32  }
0x18a: {  	s1 =	rddreg [dreg:$0x1];
	p0 =	sne.s32 s2, $0x0  }
0x18b: {  	s3 =	rddreg [dreg:$0x2];
	[bflag:$0x3] =	sbarrier.arrive $0xFFFF;
	s2 =	simm.s32 @!p0 $0x1C05  }
0x18c: {  	[timem:s3], [sflag:s2] =	dma.local @!p0 [hbm:s0], s1  }
0x18d: {  	s0 =	simm.s32 @!p0 $0x5  }
0x18e: {  	_ =	swait.ge @!p0 [sflag:s0], s1  }
0x18f: {  	s1 =	ssub.s32 @!p0 $0x0, s1;
	[sflag:s0] =	ssyncset.done @!p0 $0x0  }
0x190: {  	[sflag:s0] =	ssyncadd.s32 @!p0 s1  }
0x191: {  	[bflag:$0x3] =	sbarrier.arrive $0xFFFF  }
0x192: {  	_ =	shalt  }

</sc_bundles>
